<compile_context>
chip_gen: v7x
topology: tpu7x:2x2x1
jax: 0.10.2.dev20260603
libtpu: 0.0.44.dev20260713+nightly
codegen_flags: <defaults>
</compile_context>

<pallas_src>
import functools

import jax
import jax.numpy as jnp
from jax import lax
from jax.experimental import pallas as pl
from jax.experimental.pallas import tpu as pltpu
from jax.experimental.pallas import tpu_sc as plsc

N = 10000
E = 320000
D = 128

NC, NS = 2, 16
NW = NC * NS
BATCH = 128
NBLK = 80
EPT = NBLK * BATCH
EP = NW * EPT
RPT = 640
NPAD = NS * RPT
ZROWS = 80

_mesh = plsc.VectorSubcoreMesh(
    core_axis_name="c", subcore_axis_name="s", num_cores=NC, num_subcores=NS
)

def _deg_body(cidx_hbm, out_hbm, cidx, ones_v, zbuf, dacc):
    c = lax.axis_index("c")
    s = lax.axis_index("s")
    wid = c * NS + s
    _ones16 = jnp.ones((16,), jnp.float32)
    _zeros16 = jnp.zeros((16,), jnp.float32)

    def fill_ones(i, _):
        ones_v[pl.ds(i * 16, 16)] = _ones16
        return 0

    lax.fori_loop(0, BATCH // 16, fill_ones, 0)

    def fill_zero(i, _):
        zbuf[pl.ds(i * 16, 16)] = _zeros16
        return 0

    lax.fori_loop(0, RPT // 16, fill_zero, 0)

    pltpu.sync_copy(zbuf, dacc.at[pl.ds(s * RPT, RPT)])
    plsc.subcore_barrier()

    pltpu.sync_copy(cidx_hbm.at[wid], cidx)

    def blk(j, _):
        pltpu.sync_copy(ones_v, dacc.at[cidx.at[j]], add=True)
        return 0

    lax.fori_loop(0, NBLK, blk, 0)
    plsc.subcore_barrier()
    pltpu.sync_copy(dacc.at[pl.ds(s * RPT, RPT)], out_hbm.at[c, pl.ds(s * RPT, RPT)])


_deg = pl.kernel(
    _deg_body,
    out_type=jax.ShapeDtypeStruct((NC, NPAD), jnp.float32),
    mesh=_mesh,
    scratch_types=[
        pltpu.VMEM((NBLK, BATCH), jnp.int32),
        pltpu.VMEM((BATCH,), jnp.float32),
        pltpu.VMEM((RPT,), jnp.float32),
        pltpu.VMEM_SHARED((NPAD,), jnp.float32),
    ],
)


EPB = EP // BATCH
BPT = EPB // NS
CH = 40


def _seg_body(
    g_hbm, ridx_hbm, cidx_hbm, out_hbm, ridx, cidx, rows0, rows1, acc, sem0, sem1
):
    c = lax.axis_index("c")
    s = lax.axis_index("s")
    _zeros16 = jnp.zeros((16,), jnp.float32)

    @pl.when(c == 0)
    def _():
        def fill_zero(i, _):
            def lane(k, _):
                rows0[i, pl.ds(k * 16, 16)] = _zeros16
                return 0

            lax.fori_loop(0, D // 16, lane, 0)
            return 0

        lax.fori_loop(0, BATCH, fill_zero, 0)

        def zcopy(k, _):
            pltpu.sync_copy(rows0, acc.at[pl.ds(s * RPT + k * BATCH, BATCH), :])
            return 0

        lax.fori_loop(0, RPT // BATCH, zcopy, 0)

    plsc.subcore_barrier()

    @pl.when(c == 0)
    def _():
        rows = (rows0, rows1)
        sems = (sem0, sem1)

        def stage(st, _):
            base = s * BPT + st * CH
            pltpu.sync_copy(ridx_hbm.at[pl.ds(base, CH), :], ridx)
            pltpu.sync_copy(cidx_hbm.at[pl.ds(base, CH), :], cidx)

            pltpu.async_copy(g_hbm.at[ridx.at[0]], rows0, sem0)
            pltpu.async_copy(g_hbm.at[ridx.at[1]], rows1, sem1)

            def blk(i, _):
                for b in range(2):
                    j = i * 2 + b
                    pltpu.make_async_copy(
                        g_hbm.at[ridx.at[j]], rows[b], sems[b]
                    ).wait()
                    pltpu.sync_copy(rows[b], acc.at[cidx.at[j]], add=True)

                    @pl.when(j + 2 < CH)
                    def _():
                        pltpu.async_copy(
                            g_hbm.at[ridx.at[j + 2]], rows[b], sems[b]
                        )

                return 0

            lax.fori_loop(0, CH // 2, blk, 0)
            return 0

        lax.fori_loop(0, BPT // CH, stage, 0)

    plsc.subcore_barrier()

    @pl.when(c == 0)
    def _():
        pltpu.sync_copy(
            acc.at[pl.ds(s * RPT, RPT), :], out_hbm.at[pl.ds(s * RPT, RPT), :]
        )


_seg = pl.kernel(
    _seg_body,
    out_type=jax.ShapeDtypeStruct((NPAD, D), jnp.float32),
    mesh=_mesh,
    scratch_types=[
        pltpu.VMEM((CH, BATCH), jnp.int32),
        pltpu.VMEM((CH, BATCH), jnp.int32),
        pltpu.VMEM((BATCH, D), jnp.float32),
        pltpu.VMEM((BATCH, D), jnp.float32),
        pltpu.VMEM_SHARED((NPAD, D), jnp.float32),
        pltpu.SemaphoreType.DMA,
        pltpu.SemaphoreType.DMA,
    ],
)


BR = 1000


def _dinv(dega_ref, degb_ref):
    return lax.rsqrt(dega_ref[:, 0:1] + degb_ref[:, 0:1] + 1.0)


def _mm_scale_body(dega_ref, degb_ref, x_ref, w_ref, g_ref):
    dinv = _dinv(dega_ref, degb_ref)
    h = jnp.dot(x_ref[...], w_ref[...], preferred_element_type=jnp.float32)
    g_ref[...] = h * dinv


def _mid_body(dega_ref, degb_ref, sa_ref, g_ref, b_ref, w_ref, o_ref):
    dinv = _dinv(dega_ref, degb_ref)
    h = (sa_ref[...] + g_ref[...]) * dinv + b_ref[...]
    h = jnp.maximum(h, 0.0)
    o_ref[...] = jnp.dot(h, w_ref[...], preferred_element_type=jnp.float32) * dinv


def _out_body(dega_ref, degb_ref, sa_ref, g_ref, b_ref, o_ref):
    dinv = _dinv(dega_ref, degb_ref)
    o_ref[...] = jnp.maximum(
        (sa_ref[...] + g_ref[...]) * dinv + b_ref[...], 0.0
    )


_deg_spec = pl.BlockSpec((BR, 1), lambda i: (i, 0))
_row_spec = pl.BlockSpec((BR, D), lambda i: (i, 0))
_w_spec = pl.BlockSpec((D, D), lambda i: (0, 0))
_b_spec = pl.BlockSpec((1, D), lambda i: (0, 0))
_o_shape = jax.ShapeDtypeStruct((N, D), jnp.float32)

_mm_scale = pl.pallas_call(
    _mm_scale_body,
    grid=(N // BR,),
    in_specs=[_deg_spec, _deg_spec, _row_spec, _w_spec],
    out_specs=_row_spec,
    out_shape=_o_shape,
)

_mid = pl.pallas_call(
    _mid_body,
    grid=(N // BR,),
    in_specs=[_deg_spec, _deg_spec, _row_spec, _row_spec, _b_spec, _w_spec],
    out_specs=_row_spec,
    out_shape=_o_shape,
)

_out = pl.pallas_call(
    _out_body,
    grid=(N // BR,),
    in_specs=[_deg_spec, _deg_spec, _row_spec, _row_spec, _b_spec],
    out_specs=_row_spec,
    out_shape=_o_shape,
)


def kernel(x, edge_index, W1, b1, W2, b2):
    row = edge_index[0]
    col = edge_index[1]
    pad = EP - E
    rowp = jnp.concatenate([row, jnp.zeros((pad,), jnp.int32)]).reshape(
        NW, NBLK, BATCH
    )
    dummy = N + (jnp.arange(pad, dtype=jnp.int32) % (NPAD - N))
    colp = jnp.concatenate([col, dummy]).reshape(NW, NBLK, BATCH)

    degp = _deg(colp)
    dega = degp[0, :N].reshape(N, 1)
    degb = degp[1, :N].reshape(N, 1)
    b1r = b1.reshape(1, D)
    b2r = b2.reshape(1, D)

    rowf = rowp.reshape(BPT, NS, BATCH).transpose(1, 0, 2).reshape(EPB, BATCH)
    colf = colp.reshape(BPT, NS, BATCH).transpose(1, 0, 2).reshape(EPB, BATCH)
    g1 = _mm_scale(dega, degb, x, W1)
    s1 = _seg(g1, rowf, colf)
    g2 = _mid(dega, degb, s1[:N], g1, b1r, W2)
    s2 = _seg(g2, rowf, colf)
    return _out(dega, degb, s2[:N], g2, b2r)

# --- scband reference (transcript-rebuilt; emitter-appended) ---
"""Pipeline reference for scband-entity-tower-41360535060598 (READ-ONLY COPY).

The authoritative reference and input builder live on the scoring server;
editing this copy changes nothing except your own understanding.
"""

import jax, jax.numpy as jnp
import numpy as np

N_NODES = 10000
N_EDGES = 320000
D = 128


def _gcn_conv(x, edge_index, W, b):
    # Faithful PyG GCNConv: add self-loops, symmetric normalization, linear, scatter-add, bias.
    n = x.shape[0]
    row = edge_index[0]
    col = edge_index[1]
    loop = jnp.arange(n, dtype=row.dtype)
    row = jnp.concatenate([row, loop])
    col = jnp.concatenate([col, loop])
    ew = jnp.ones(row.shape[0], dtype=x.dtype)
    # deg computed on col (dst) index as in pyg gcn_norm
    deg = jax.ops.segment_sum(ew, col, num_segments=n)
    deg_inv_sqrt = jnp.where(deg > 0, jax.lax.rsqrt(deg), 0.0)
    norm = deg_inv_sqrt[row] * ew * deg_inv_sqrt[col]
    h = x @ W  # linear transform (no bias inside lin)
    msg = h[row] * norm[:, None]
    out = jax.ops.segment_sum(msg, col, num_segments=n)
    return out + b


def setup_inputs(seed: int = 0) -> dict:
    key = jax.random.key(seed)
    ks = jax.random.split(key, 6)
    x = jax.random.normal(ks[0], (N_NODES, D), dtype=jnp.float32)
    edge_index = jax.random.randint(ks[1], (2, N_EDGES), 0, N_NODES, dtype=jnp.int32)
    scale = 1.0 / np.sqrt(D)
    W1 = jax.random.uniform(ks[2], (D, D), dtype=jnp.float32, minval=-scale, maxval=scale)
    b1 = jnp.zeros((D,), dtype=jnp.float32)
    W2 = jax.random.uniform(ks[3], (D, D), dtype=jnp.float32, minval=-scale, maxval=scale)
    b2 = jnp.zeros((D,), dtype=jnp.float32)
    return {"x": x, "edge_index": edge_index, "W1": W1, "b1": b1, "W2": W2, "b2": b2}


def reference(x, edge_index, W1, b1, W2, b2):
    h = _gcn_conv(x, edge_index, W1, b1)
    h = jax.nn.relu(h)
    h = _gcn_conv(h, edge_index, W2, b2)
    h = jax.nn.relu(h)
    return h

if __name__ == "__main__":
    import jax
    _d = setup_inputs()
    print(jax.jit(kernel)(*tuple(_d.values())))

</pallas_src>

<mosaic_0001>
#map = affine_map<(d0, d1) -> (0, 0, 0)>
#map1 = affine_map<(d0, d1) -> (0, 0)>
module attributes {stable_mosaic.version = 14 : i64} {
  func.func @_deg_body(%arg0: i32, %arg1: i32, %arg2: memref<32x80x128xi32, #tpu.memory_space<hbm>>, %arg3: memref<2x10240xf32, #tpu.memory_space<hbm>>, %arg4: memref<80x128xi32, #tpu.memory_space<vmem>>, %arg5: memref<128xf32, #tpu.memory_space<vmem>>, %arg6: memref<640xf32, #tpu.memory_space<vmem>>, %arg7: memref<10240xf32, #tpu.memory_space<vmem_shared>>) attributes {dimension_semantics = [#tpu.dimension_semantics<core_parallel>, #tpu.dimension_semantics<subcore_parallel>], iteration_bounds = array<i64: 2, 16>, scalar_prefetch = 0 : i64, scratch_operands = 4 : i64, tpu.core_type = #tpu.core_type<sc_vector_subcore>, window_params = [{transform_indices = #map}, {transform_indices = #map1}]} {
    %mul3A = arith.constant 16 : i32
    %mul3A_0 = arith.muli %arg0, %mul3A : i32
    %add3A = arith.addi %mul3A_0, %arg1 : i32
    %broadcast_in_dim3A = arith.constant 1.000000e+00 : f32
    %broadcast_in_dim3A_1 = vector.broadcast %broadcast_in_dim3A : f32 to vector<16xf32>
    %broadcast_in_dim3A_2 = arith.constant 0.000000e+00 : f32
    %broadcast_in_dim3A_3 = vector.broadcast %broadcast_in_dim3A_2 : f32 to vector<16xf32>
    %scan3A = arith.constant 0 : i32
    %scan3A_4 = arith.constant 0 : i32
    %scan3A_5 = arith.constant 8 : i32
    %scan3A_6 = arith.addi %scan3A_4, %scan3A_5 : i32
    %scan3A_7 = arith.constant 1 : i32
    %scan3A_8 = scf.for %scan3A_31 = %scan3A_4 to %scan3A_6 step %scan3A_7 iter_args(%scan3A_32 = %scan3A) -> (i32)  : i32 {
      %mul3A_33 = arith.constant 16 : i32
      %mul3A_34 = arith.muli %scan3A_31, %mul3A_33 : i32
      %swap3A = arith.index_cast %mul3A_34 : i32 to index
      %swap3A_35 = tpu.vector_load %arg5[%swap3A] {strides = array<i32>} : memref<128xf32, #tpu.memory_space<vmem>>, vector<16xf32>,
      %swap3A_36 = vector.shape_cast %swap3A_35 : vector<16xf32> to vector<16xf32>
      %swap3A_37 = vector.shape_cast %broadcast_in_dim3A_1 : vector<16xf32> to vector<16xf32>
      tpu.vector_store %arg5[%swap3A], %swap3A_37 {strides = array<i32>} : memref<128xf32, #tpu.memory_space<vmem>>, vector<16xf32>,
      %scan3A_38 = arith.constant 0 : i32
      scf.yield %scan3A_38 : i32
    }
    %scan3A_9 = arith.constant 8 : i32
    %scan3A_10 = arith.constant 0 : i32
    %scan3A_11 = arith.constant 0 : i32
    %scan3A_12 = arith.constant 40 : i32
    %scan3A_13 = arith.addi %scan3A_11, %scan3A_12 : i32
    %scan3A_14 = arith.constant 1 : i32
    %scan3A_15 = scf.for %scan3A_31 = %scan3A_11 to %scan3A_13 step %scan3A_14 iter_args(%scan3A_32 = %scan3A_10) -> (i32)  : i32 {
      %mul3A_33 = arith.constant 16 : i32
      %mul3A_34 = arith.muli %scan3A_31, %mul3A_33 : i32
      %swap3A = arith.index_cast %mul3A_34 : i32 to index
      %swap3A_35 = tpu.vector_load %arg6[%swap3A] {strides = array<i32>} : memref<640xf32, #tpu.memory_space<vmem>>, vector<16xf32>,
      %swap3A_36 = vector.shape_cast %swap3A_35 : vector<16xf32> to vector<16xf32>
      %swap3A_37 = vector.shape_cast %broadcast_in_dim3A_3 : vector<16xf32> to vector<16xf32>
      tpu.vector_store %arg6[%swap3A], %swap3A_37 {strides = array<i32>} : memref<640xf32, #tpu.memory_space<vmem>>, vector<16xf32>,
      %scan3A_38 = arith.constant 0 : i32
      scf.yield %scan3A_38 : i32
    }
    %scan3A_16 = arith.constant 40 : i32
    %mul3A_17 = arith.constant 640 : i32
    %mul3A_18 = arith.muli %arg1, %mul3A_17 : i32
    "tpu.region"() ({
      %run_scoped3A = tpu.sem_alloc : memref<!tpu.dma_semaphore, #tpu.memory_space<semaphore_mem>>
      %dma_start3A = tpu.memref_slice %arg7[%mul3A_18] : memref<10240xf32, #tpu.memory_space<vmem_shared>> -> memref<640xf32, #tpu.memory_space<vmem_shared>>
      %dma_start3A_31 = tpu.memref_slice %arg7[%mul3A_18] : memref<10240xf32, #tpu.memory_space<vmem_shared>> -> memref<640xf32, #tpu.memory_space<vmem_shared>>
      tpu.enqueue_dma source(%arg6 : memref<640xf32, #tpu.memory_space<vmem>>) target(%dma_start3A_31 : memref<640xf32, #tpu.memory_space<vmem_shared>>) target_semaphore(%run_scoped3A : memref<!tpu.dma_semaphore, #tpu.memory_space<semaphore_mem>>)
      %dma_wait3A = tpu.memref_slice %arg7[%mul3A_18] : memref<10240xf32, #tpu.memory_space<vmem_shared>> -> memref<640xf32, #tpu.memory_space<vmem_shared>>
      %dma_wait3A_32 = tpu.memref_slice %arg7[%mul3A_18] : memref<10240xf32, #tpu.memory_space<vmem_shared>> -> memref<640xf32, #tpu.memory_space<vmem_shared>>
      tpu.wait_dma2 semaphore(%run_scoped3A : memref<!tpu.dma_semaphore, #tpu.memory_space<semaphore_mem>>) src(%arg6 : memref<640xf32, #tpu.memory_space<vmem>>) dst(%dma_wait3A_32 : memref<640xf32, #tpu.memory_space<vmem_shared>>)
      tpu.yield
    }) : () -> ()
    %barrier3A = arith.constant 0 : index
    tpu.barrier barrier_id(%barrier3A)
    "tpu.region"() ({
      %run_scoped3A = tpu.sem_alloc : memref<!tpu.dma_semaphore, #tpu.memory_space<semaphore_mem>>
      %dma_start3A = arith.constant 0 : i32
      %dma_start3A_31 = arith.constant 0 : i32
      %dma_start3A_32 = tpu.memref_slice %arg2[%add3A, %dma_start3A, %dma_start3A_31] : memref<32x80x128xi32, #tpu.memory_space<hbm>> -> memref<1x80x128xi32, #tpu.memory_space<hbm>>
      %dma_start3A_33 = tpu.memref_squeeze %dma_start3A_32 : memref<1x80x128xi32, #tpu.memory_space<hbm>> -> memref<80x128xi32, #tpu.memory_space<hbm>>
      %dma_start3A_34 = arith.constant 0 : i32
      %dma_start3A_35 = arith.constant 0 : i32
      %dma_start3A_36 = tpu.memref_slice %arg2[%add3A, %dma_start3A_34, %dma_start3A_35] : memref<32x80x128xi32, #tpu.memory_space<hbm>> -> memref<1x80x128xi32, #tpu.memory_space<hbm>>
      %dma_start3A_37 = tpu.memref_squeeze %dma_start3A_36 : memref<1x80x128xi32, #tpu.memory_space<hbm>> -> memref<80x128xi32, #tpu.memory_space<hbm>>
      tpu.enqueue_dma source(%dma_start3A_37 : memref<80x128xi32, #tpu.memory_space<hbm>>) target(%arg4 : memref<80x128xi32, #tpu.memory_space<vmem>>) target_semaphore(%run_scoped3A : memref<!tpu.dma_semaphore, #tpu.memory_space<semaphore_mem>>)
      %dma_wait3A = arith.constant 0 : i32
      %dma_wait3A_38 = arith.constant 0 : i32
      %dma_wait3A_39 = tpu.memref_slice %arg2[%add3A, %dma_wait3A, %dma_wait3A_38] : memref<32x80x128xi32, #tpu.memory_space<hbm>> -> memref<1x80x128xi32, #tpu.memory_space<hbm>>
      %dma_wait3A_40 = tpu.memref_squeeze %dma_wait3A_39 : memref<1x80x128xi32, #tpu.memory_space<hbm>> -> memref<80x128xi32, #tpu.memory_space<hbm>>
      %dma_wait3A_41 = arith.constant 0 : i32
      %dma_wait3A_42 = arith.constant 0 : i32
      %dma_wait3A_43 = tpu.memref_slice %arg2[%add3A, %dma_wait3A_41, %dma_wait3A_42] : memref<32x80x128xi32, #tpu.memory_space<hbm>> -> memref<1x80x128xi32, #tpu.memory_space<hbm>>
      %dma_wait3A_44 = tpu.memref_squeeze %dma_wait3A_43 : memref<1x80x128xi32, #tpu.memory_space<hbm>> -> memref<80x128xi32, #tpu.memory_space<hbm>>
      tpu.wait_dma2 semaphore(%run_scoped3A : memref<!tpu.dma_semaphore, #tpu.memory_space<semaphore_mem>>) src(%dma_wait3A_44 : memref<80x128xi32, #tpu.memory_space<hbm>>) dst(%arg4 : memref<80x128xi32, #tpu.memory_space<vmem>>)
      tpu.yield
    }) : () -> ()
    %scan3A_19 = arith.constant 0 : i32
    %scan3A_20 = arith.constant 0 : i32
    %scan3A_21 = arith.constant 80 : i32
    %scan3A_22 = arith.addi %scan3A_20, %scan3A_21 : i32
    %scan3A_23 = arith.constant 1 : i32
    %scan3A_24 = scf.for %scan3A_31 = %scan3A_20 to %scan3A_22 step %scan3A_23 iter_args(%scan3A_32 = %scan3A_19) -> (i32)  : i32 {
      "tpu.region"() ({
        %run_scoped3A = tpu.sem_alloc : memref<!tpu.dma_semaphore, #tpu.memory_space<semaphore_mem>>
        %dma_start3A = arith.constant 0 : i32
        %dma_start3A_34 = tpu.memref_slice %arg4[%scan3A_31, %dma_start3A] : memref<80x128xi32, #tpu.memory_space<vmem>> -> memref<1x128xi32, #tpu.memory_space<vmem>>
        %dma_start3A_35 = tpu.memref_squeeze %dma_start3A_34 : memref<1x128xi32, #tpu.memory_space<vmem>> -> memref<128xi32, #tpu.memory_space<vmem>>
        %dma_start3A_36 = arith.constant 0 : i32
        %dma_start3A_37 = tpu.memref_slice %arg7[%dma_start3A_36] : memref<10240xf32, #tpu.memory_space<vmem_shared>> -> memref<10240xf32, #tpu.memory_space<vmem_shared>>
        tpu.enqueue_indirect_dma source(%arg5 : memref<128xf32, #tpu.memory_space<vmem>>) target(%dma_start3A_37 : memref<10240xf32, #tpu.memory_space<vmem_shared>>) offsets(%dma_start3A_35 : memref<128xi32, #tpu.memory_space<vmem>>) semaphore(%run_scoped3A : memref<!tpu.dma_semaphore, #tpu.memory_space<semaphore_mem>>) {add = true}
        %dma_wait3A = arith.constant 0 : i32
        %dma_wait3A_38 = tpu.memref_slice %arg4[%scan3A_31, %dma_wait3A] : memref<80x128xi32, #tpu.memory_space<vmem>> -> memref<1x128xi32, #tpu.memory_space<vmem>>
        %dma_wait3A_39 = tpu.memref_squeeze %dma_wait3A_38 : memref<1x128xi32, #tpu.memory_space<vmem>> -> memref<128xi32, #tpu.memory_space<vmem>>
        %dma_wait3A_40 = arith.constant 0 : i32
        %dma_wait3A_41 = tpu.memref_slice %arg7[%dma_wait3A_40] : memref<10240xf32, #tpu.memory_space<vmem_shared>> -> memref<10240xf32, #tpu.memory_space<vmem_shared>>
        tpu.wait_indirect_dma semaphore(%run_scoped3A : memref<!tpu.dma_semaphore, #tpu.memory_space<semaphore_mem>>) src(%arg5 : memref<128xf32, #tpu.memory_space<vmem>>) dst(%dma_wait3A_41 : memref<10240xf32, #tpu.memory_space<vmem_shared>>)
        tpu.yield
      }) : () -> ()
      %scan3A_33 = arith.constant 0 : i32
      scf.yield %scan3A_33 : i32
    }
    %scan3A_25 = arith.constant 80 : i32
    %barrier3A_26 = arith.constant 0 : index
    tpu.barrier barrier_id(%barrier3A_26)
    %mul3A_27 = arith.constant 640 : i32
    %mul3A_28 = arith.muli %arg1, %mul3A_27 : i32
    %mul3A_29 = arith.constant 640 : i32
    %mul3A_30 = arith.muli %arg1, %mul3A_29 : i32
    "tpu.region"() ({
      %run_scoped3A = tpu.sem_alloc : memref<!tpu.dma_semaphore, #tpu.memory_space<semaphore_mem>>
      %dma_start3A = tpu.memref_slice %arg3[%arg0, %mul3A_30] : memref<2x10240xf32, #tpu.memory_space<hbm>> -> memref<1x640xf32, #tpu.memory_space<hbm>>
      %dma_start3A_31 = tpu.memref_squeeze %dma_start3A : memref<1x640xf32, #tpu.memory_space<hbm>> -> memref<640xf32, #tpu.memory_space<hbm>>
      %dma_start3A_32 = tpu.memref_slice %arg7[%mul3A_28] : memref<10240xf32, #tpu.memory_space<vmem_shared>> -> memref<640xf32, #tpu.memory_space<vmem_shared>>
      tpu.enqueue_dma source(%dma_start3A_32 : memref<640xf32, #tpu.memory_space<vmem_shared>>) target(%dma_start3A_31 : memref<640xf32, #tpu.memory_space<hbm>>) target_semaphore(%run_scoped3A : memref<!tpu.dma_semaphore, #tpu.memory_space<semaphore_mem>>)
      %dma_wait3A = tpu.memref_slice %arg3[%arg0, %mul3A_30] : memref<2x10240xf32, #tpu.memory_space<hbm>> -> memref<1x640xf32, #tpu.memory_space<hbm>>
      %dma_wait3A_33 = tpu.memref_squeeze %dma_wait3A : memref<1x640xf32, #tpu.memory_space<hbm>> -> memref<640xf32, #tpu.memory_space<hbm>>
      %dma_wait3A_34 = tpu.memref_slice %arg7[%mul3A_28] : memref<10240xf32, #tpu.memory_space<vmem_shared>> -> memref<640xf32, #tpu.memory_space<vmem_shared>>
      tpu.wait_dma2 semaphore(%run_scoped3A : memref<!tpu.dma_semaphore, #tpu.memory_space<semaphore_mem>>) src(%dma_wait3A_34 : memref<640xf32, #tpu.memory_space<vmem_shared>>) dst(%dma_wait3A_33 : memref<640xf32, #tpu.memory_space<hbm>>)
      tpu.yield
    }) : () -> ()
    return
  }
}

#map = affine_map<(d0, d1) -> (0, 0)>
module attributes {stable_mosaic.version = 14 : i64} {
  func.func @_seg_body(%arg0: i32, %arg1: i32, %arg2: memref<10000x128xf32, #tpu.memory_space<hbm>>, %arg3: memref<2560x128xi32, #tpu.memory_space<hbm>>, %arg4: memref<2560x128xi32, #tpu.memory_space<hbm>>, %arg5: memref<10240x128xf32, #tpu.memory_space<hbm>>, %arg6: memref<40x128xi32, #tpu.memory_space<vmem>>, %arg7: memref<40x128xi32, #tpu.memory_space<vmem>>, %arg8: memref<128x128xf32, #tpu.memory_space<vmem>>, %arg9: memref<128x128xf32, #tpu.memory_space<vmem>>, %arg10: memref<10240x128xf32, #tpu.memory_space<vmem_shared>>, %arg11: memref<!tpu.dma_semaphore, #tpu.memory_space<semaphore_mem>>, %arg12: memref<!tpu.dma_semaphore, #tpu.memory_space<semaphore_mem>>) attributes {dimension_semantics = [#tpu.dimension_semantics<core_parallel>, #tpu.dimension_semantics<subcore_parallel>], iteration_bounds = array<i64: 2, 16>, scalar_prefetch = 0 : i64, scratch_operands = 7 : i64, tpu.core_type = #tpu.core_type<sc_vector_subcore>, window_params = [{transform_indices = #map}, {transform_indices = #map}, {transform_indices = #map}, {transform_indices = #map}]} {
    %broadcast_in_dim3A = arith.constant 0.000000e+00 : f32
    %broadcast_in_dim3A_0 = vector.broadcast %broadcast_in_dim3A : f32 to vector<16xf32>
    %eq3A = arith.constant 0 : i32
    %eq3A_1 = arith.cmpi eq, %arg0, %eq3A : i32
    %convert_element_type3A = arith.extui %eq3A_1 : i1 to i32
    %cond3A = arith.constant 0 : i32
    %cond3A_2 = arith.cmpi ne, %convert_element_type3A, %cond3A : i32
    scf.if %cond3A_2 {
      %scan3A = arith.constant 0 : i32
      %scan3A_14 = arith.constant 0 : i32
      %scan3A_15 = arith.constant 128 : i32
      %scan3A_16 = arith.addi %scan3A_14, %scan3A_15 : i32
      %scan3A_17 = arith.constant 1 : i32
      %scan3A_18 = scf.for %scan3A_27 = %scan3A_14 to %scan3A_16 step %scan3A_17 iter_args(%scan3A_28 = %scan3A) -> (i32)  : i32 {
        %scan3A_29 = arith.constant 0 : i32
        %scan3A_30 = arith.constant 0 : i32
        %scan3A_31 = arith.constant 8 : i32
        %scan3A_32 = arith.addi %scan3A_30, %scan3A_31 : i32
        %scan3A_33 = arith.constant 1 : i32
        %scan3A_34 = scf.for %scan3A_37 = %scan3A_30 to %scan3A_32 step %scan3A_33 iter_args(%scan3A_38 = %scan3A_29) -> (i32)  : i32 {
          %mul3A = arith.constant 16 : i32
          %mul3A_39 = arith.muli %scan3A_37, %mul3A : i32
          %swap3A = arith.index_cast %scan3A_27 : i32 to index
          %swap3A_40 = arith.index_cast %mul3A_39 : i32 to index
          %swap3A_41 = tpu.vector_load %arg8[%swap3A, %swap3A_40] {strides = array<i32>} : memref<128x128xf32, #tpu.memory_space<vmem>>, vector<1x16xf32>,
          %swap3A_42 = vector.shape_cast %swap3A_41 : vector<1x16xf32> to vector<16xf32>
          %swap3A_43 = vector.shape_cast %broadcast_in_dim3A_0 : vector<16xf32> to vector<1x16xf32>
          tpu.vector_store %arg8[%swap3A, %swap3A_40], %swap3A_43 {strides = array<i32>} : memref<128x128xf32, #tpu.memory_space<vmem>>, vector<1x16xf32>,
          %scan3A_44 = arith.constant 0 : i32
          scf.yield %scan3A_44 : i32
        }
        %scan3A_35 = arith.constant 8 : i32
        %scan3A_36 = arith.constant 0 : i32
        scf.yield %scan3A_36 : i32
      }
      %scan3A_19 = arith.constant 128 : i32
      %scan3A_20 = arith.constant 0 : i32
      %scan3A_21 = arith.constant 0 : i32
      %scan3A_22 = arith.constant 5 : i32
      %scan3A_23 = arith.addi %scan3A_21, %scan3A_22 : i32
      %scan3A_24 = arith.constant 1 : i32
      %scan3A_25 = scf.for %scan3A_27 = %scan3A_21 to %scan3A_23 step %scan3A_24 iter_args(%scan3A_28 = %scan3A_20) -> (i32)  : i32 {
        %mul3A = arith.constant 640 : i32
        %mul3A_29 = arith.muli %arg1, %mul3A : i32
        %mul3A_30 = arith.constant 128 : i32
        %mul3A_31 = arith.muli %scan3A_27, %mul3A_30 : i32
        %add3A = arith.addi %mul3A_29, %mul3A_31 : i32
        "tpu.region"() ({
          %run_scoped3A = tpu.sem_alloc : memref<!tpu.dma_semaphore, #tpu.memory_space<semaphore_mem>>
          %dma_start3A = arith.constant 0 : i32
          %dma_start3A_33 = tpu.memref_slice %arg10[%add3A, %dma_start3A] : memref<10240x128xf32, #tpu.memory_space<vmem_shared>> -> memref<128x128xf32, #tpu.memory_space<vmem_shared>>
          %dma_start3A_34 = arith.constant 0 : i32
          %dma_start3A_35 = tpu.memref_slice %arg10[%add3A, %dma_start3A_34] : memref<10240x128xf32, #tpu.memory_space<vmem_shared>> -> memref<128x128xf32, #tpu.memory_space<vmem_shared>>
          tpu.enqueue_dma source(%arg8 : memref<128x128xf32, #tpu.memory_space<vmem>>) target(%dma_start3A_35 : memref<128x128xf32, #tpu.memory_space<vmem_shared>>) target_semaphore(%run_scoped3A : memref<!tpu.dma_semaphore, #tpu.memory_space<semaphore_mem>>)
          %dma_wait3A = arith.constant 0 : i32
          %dma_wait3A_36 = tpu.memref_slice %arg10[%add3A, %dma_wait3A] : memref<10240x128xf32, #tpu.memory_space<vmem_shared>> -> memref<128x128xf32, #tpu.memory_space<vmem_shared>>
          %dma_wait3A_37 = arith.constant 0 : i32
          %dma_wait3A_38 = tpu.memref_slice %arg10[%add3A, %dma_wait3A_37] : memref<10240x128xf32, #tpu.memory_space<vmem_shared>> -> memref<128x128xf32, #tpu.memory_space<vmem_shared>>
          tpu.wait_dma2 semaphore(%run_scoped3A : memref<!tpu.dma_semaphore, #tpu.memory_space<semaphore_mem>>) src(%arg8 : memref<128x128xf32, #tpu.memory_space<vmem>>) dst(%dma_wait3A_38 : memref<128x128xf32, #tpu.memory_space<vmem_shared>>)
          tpu.yield
        }) : () -> ()
        %scan3A_32 = arith.constant 0 : i32
        scf.yield %scan3A_32 : i32
      }
      %scan3A_26 = arith.constant 5 : i32
    } else {
    }
    %barrier3A = arith.constant 0 : index
    tpu.barrier barrier_id(%barrier3A)
    %eq3A_3 = arith.constant 0 : i32
    %eq3A_4 = arith.cmpi eq, %arg0, %eq3A_3 : i32
    %convert_element_type3A_5 = arith.extui %eq3A_4 : i1 to i32
    %cond3A_6 = arith.constant 0 : i32
    %cond3A_7 = arith.cmpi ne, %convert_element_type3A_5, %cond3A_6 : i32
    scf.if %cond3A_7 {
      %scan3A = arith.constant 0 : i32
      %scan3A_14 = arith.constant 0 : i32
      %scan3A_15 = arith.constant 4 : i32
      %scan3A_16 = arith.addi %scan3A_14, %scan3A_15 : i32
      %scan3A_17 = arith.constant 1 : i32
      %scan3A_18 = scf.for %scan3A_20 = %scan3A_14 to %scan3A_16 step %scan3A_17 iter_args(%scan3A_21 = %scan3A) -> (i32)  : i32 {
        %mul3A = arith.constant 160 : i32
        %mul3A_22 = arith.muli %arg1, %mul3A : i32
        %mul3A_23 = arith.constant 40 : i32
        %mul3A_24 = arith.muli %scan3A_20, %mul3A_23 : i32
        %add3A = arith.addi %mul3A_22, %mul3A_24 : i32
        "tpu.region"() ({
          %run_scoped3A = tpu.sem_alloc : memref<!tpu.dma_semaphore, #tpu.memory_space<semaphore_mem>>
          %dma_start3A_46 = arith.constant 0 : i32
          %dma_start3A_47 = tpu.memref_slice %arg3[%add3A, %dma_start3A_46] : memref<2560x128xi32, #tpu.memory_space<hbm>> -> memref<40x128xi32, #tpu.memory_space<hbm>>
          %dma_start3A_48 = arith.constant 0 : i32
          %dma_start3A_49 = tpu.memref_slice %arg3[%add3A, %dma_start3A_48] : memref<2560x128xi32, #tpu.memory_space<hbm>> -> memref<40x128xi32, #tpu.memory_space<hbm>>
          tpu.enqueue_dma source(%dma_start3A_49 : memref<40x128xi32, #tpu.memory_space<hbm>>) target(%arg6 : memref<40x128xi32, #tpu.memory_space<vmem>>) target_semaphore(%run_scoped3A : memref<!tpu.dma_semaphore, #tpu.memory_space<semaphore_mem>>)
          %dma_wait3A = arith.constant 0 : i32
          %dma_wait3A_50 = tpu.memref_slice %arg3[%add3A, %dma_wait3A] : memref<2560x128xi32, #tpu.memory_space<hbm>> -> memref<40x128xi32, #tpu.memory_space<hbm>>
          %dma_wait3A_51 = arith.constant 0 : i32
          %dma_wait3A_52 = tpu.memref_slice %arg3[%add3A, %dma_wait3A_51] : memref<2560x128xi32, #tpu.memory_space<hbm>> -> memref<40x128xi32, #tpu.memory_space<hbm>>
          tpu.wait_dma2 semaphore(%run_scoped3A : memref<!tpu.dma_semaphore, #tpu.memory_space<semaphore_mem>>) src(%dma_wait3A_52 : memref<40x128xi32, #tpu.memory_space<hbm>>) dst(%arg6 : memref<40x128xi32, #tpu.memory_space<vmem>>)
          tpu.yield
        }) : () -> ()
        "tpu.region"() ({
          %run_scoped3A = tpu.sem_alloc : memref<!tpu.dma_semaphore, #tpu.memory_space<semaphore_mem>>
          %dma_start3A_46 = arith.constant 0 : i32
          %dma_start3A_47 = tpu.memref_slice %arg4[%add3A, %dma_start3A_46] : memref<2560x128xi32, #tpu.memory_space<hbm>> -> memref<40x128xi32, #tpu.memory_space<hbm>>
          %dma_start3A_48 = arith.constant 0 : i32
          %dma_start3A_49 = tpu.memref_slice %arg4[%add3A, %dma_start3A_48] : memref<2560x128xi32, #tpu.memory_space<hbm>> -> memref<40x128xi32, #tpu.memory_space<hbm>>
          tpu.enqueue_dma source(%dma_start3A_49 : memref<40x128xi32, #tpu.memory_space<hbm>>) target(%arg7 : memref<40x128xi32, #tpu.memory_space<vmem>>) target_semaphore(%run_scoped3A : memref<!tpu.dma_semaphore, #tpu.memory_space<semaphore_mem>>)
          %dma_wait3A = arith.constant 0 : i32
          %dma_wait3A_50 = tpu.memref_slice %arg4[%add3A, %dma_wait3A] : memref<2560x128xi32, #tpu.memory_space<hbm>> -> memref<40x128xi32, #tpu.memory_space<hbm>>
          %dma_wait3A_51 = arith.constant 0 : i32
          %dma_wait3A_52 = tpu.memref_slice %arg4[%add3A, %dma_wait3A_51] : memref<2560x128xi32, #tpu.memory_space<hbm>> -> memref<40x128xi32, #tpu.memory_space<hbm>>
          tpu.wait_dma2 semaphore(%run_scoped3A : memref<!tpu.dma_semaphore, #tpu.memory_space<semaphore_mem>>) src(%dma_wait3A_52 : memref<40x128xi32, #tpu.memory_space<hbm>>) dst(%arg7 : memref<40x128xi32, #tpu.memory_space<vmem>>)
          tpu.yield
        }) : () -> ()
        %dma_start3A = arith.constant 0 : i32
        %dma_start3A_25 = arith.constant 0 : i32
        %dma_start3A_26 = tpu.memref_slice %arg6[%dma_start3A, %dma_start3A_25] : memref<40x128xi32, #tpu.memory_space<vmem>> -> memref<1x128xi32, #tpu.memory_space<vmem>>
        %dma_start3A_27 = tpu.memref_squeeze %dma_start3A_26 : memref<1x128xi32, #tpu.memory_space<vmem>> -> memref<128xi32, #tpu.memory_space<vmem>>
        %dma_start3A_28 = arith.constant 0 : i32
        %dma_start3A_29 = arith.constant 0 : i32
        %dma_start3A_30 = tpu.memref_slice %arg2[%dma_start3A_28, %dma_start3A_29] : memref<10000x128xf32, #tpu.memory_space<hbm>> -> memref<10000x128xf32, #tpu.memory_space<hbm>>
        tpu.enqueue_indirect_dma source(%dma_start3A_30 : memref<10000x128xf32, #tpu.memory_space<hbm>>) target(%arg8 : memref<128x128xf32, #tpu.memory_space<vmem>>) offsets(%dma_start3A_27 : memref<128xi32, #tpu.memory_space<vmem>>) semaphore(%arg11 : memref<!tpu.dma_semaphore, #tpu.memory_space<semaphore_mem>>)
        %dma_start3A_31 = arith.constant 1 : i32
        %dma_start3A_32 = arith.constant 0 : i32
        %dma_start3A_33 = tpu.memref_slice %arg6[%dma_start3A_31, %dma_start3A_32] : memref<40x128xi32, #tpu.memory_space<vmem>> -> memref<1x128xi32, #tpu.memory_space<vmem>>
        %dma_start3A_34 = tpu.memref_squeeze %dma_start3A_33 : memref<1x128xi32, #tpu.memory_space<vmem>> -> memref<128xi32, #tpu.memory_space<vmem>>
        %dma_start3A_35 = arith.constant 0 : i32
        %dma_start3A_36 = arith.constant 0 : i32
        %dma_start3A_37 = tpu.memref_slice %arg2[%dma_start3A_35, %dma_start3A_36] : memref<10000x128xf32, #tpu.memory_space<hbm>> -> memref<10000x128xf32, #tpu.memory_space<hbm>>
        tpu.enqueue_indirect_dma source(%dma_start3A_37 : memref<10000x128xf32, #tpu.memory_space<hbm>>) target(%arg9 : memref<128x128xf32, #tpu.memory_space<vmem>>) offsets(%dma_start3A_34 : memref<128xi32, #tpu.memory_space<vmem>>) semaphore(%arg12 : memref<!tpu.dma_semaphore, #tpu.memory_space<semaphore_mem>>)
        %scan3A_38 = arith.constant 0 : i32
        %scan3A_39 = arith.constant 0 : i32
        %scan3A_40 = arith.constant 20 : i32
        %scan3A_41 = arith.addi %scan3A_39, %scan3A_40 : i32
        %scan3A_42 = arith.constant 1 : i32
        %scan3A_43 = scf.for %scan3A_46 = %scan3A_39 to %scan3A_41 step %scan3A_42 iter_args(%scan3A_47 = %scan3A_38) -> (i32)  : i32 {
          %mul3A_48 = arith.constant 2 : i32
          %mul3A_49 = arith.muli %scan3A_46, %mul3A_48 : i32
          %add3A_50 = arith.constant 0 : i32
          %add3A_51 = arith.addi %mul3A_49, %add3A_50 : i32
          %dma_wait3A = arith.constant 0 : i32
          %dma_wait3A_52 = tpu.memref_slice %arg6[%add3A_51, %dma_wait3A] : memref<40x128xi32, #tpu.memory_space<vmem>> -> memref<1x128xi32, #tpu.memory_space<vmem>>
          %dma_wait3A_53 = tpu.memref_squeeze %dma_wait3A_52 : memref<1x128xi32, #tpu.memory_space<vmem>> -> memref<128xi32, #tpu.memory_space<vmem>>
          %dma_wait3A_54 = arith.constant 0 : i32
          %dma_wait3A_55 = arith.constant 0 : i32
          %dma_wait3A_56 = tpu.memref_slice %arg2[%dma_wait3A_54, %dma_wait3A_55] : memref<10000x128xf32, #tpu.memory_space<hbm>> -> memref<10000x128xf32, #tpu.memory_space<hbm>>
          tpu.wait_indirect_dma semaphore(%arg11 : memref<!tpu.dma_semaphore, #tpu.memory_space<semaphore_mem>>) src(%dma_wait3A_56 : memref<10000x128xf32, #tpu.memory_space<hbm>>) dst(%arg8 : memref<128x128xf32, #tpu.memory_space<vmem>>)
          "tpu.region"() ({
            %run_scoped3A = tpu.sem_alloc : memref<!tpu.dma_semaphore, #tpu.memory_space<semaphore_mem>>
            %dma_start3A_81 = arith.constant 0 : i32
            %dma_start3A_82 = tpu.memref_slice %arg7[%add3A_51, %dma_start3A_81] : memref<40x128xi32, #tpu.memory_space<vmem>> -> memref<1x128xi32, #tpu.memory_space<vmem>>
            %dma_start3A_83 = tpu.memref_squeeze %dma_start3A_82 : memref<1x128xi32, #tpu.memory_space<vmem>> -> memref<128xi32, #tpu.memory_space<vmem>>
            %dma_start3A_84 = arith.constant 0 : i32
            %dma_start3A_85 = arith.constant 0 : i32
            %dma_start3A_86 = tpu.memref_slice %arg10[%dma_start3A_84, %dma_start3A_85] : memref<10240x128xf32, #tpu.memory_space<vmem_shared>> -> memref<10240x128xf32, #tpu.memory_space<vmem_shared>>
            tpu.enqueue_indirect_dma source(%arg8 : memref<128x128xf32, #tpu.memory_space<vmem>>) target(%dma_start3A_86 : memref<10240x128xf32, #tpu.memory_space<vmem_shared>>) offsets(%dma_start3A_83 : memref<128xi32, #tpu.memory_space<vmem>>) semaphore(%run_scoped3A : memref<!tpu.dma_semaphore, #tpu.memory_space<semaphore_mem>>) {add = true}
            %dma_wait3A_87 = arith.constant 0 : i32
            %dma_wait3A_88 = tpu.memref_slice %arg7[%add3A_51, %dma_wait3A_87] : memref<40x128xi32, #tpu.memory_space<vmem>> -> memref<1x128xi32, #tpu.memory_space<vmem>>
            %dma_wait3A_89 = tpu.memref_squeeze %dma_wait3A_88 : memref<1x128xi32, #tpu.memory_space<vmem>> -> memref<128xi32, #tpu.memory_space<vmem>>
            %dma_wait3A_90 = arith.constant 0 : i32
            %dma_wait3A_91 = arith.constant 0 : i32
            %dma_wait3A_92 = tpu.memref_slice %arg10[%dma_wait3A_90, %dma_wait3A_91] : memref<10240x128xf32, #tpu.memory_space<vmem_shared>> -> memref<10240x128xf32, #tpu.memory_space<vmem_shared>>
            tpu.wait_indirect_dma semaphore(%run_scoped3A : memref<!tpu.dma_semaphore, #tpu.memory_space<semaphore_mem>>) src(%arg8 : memref<128x128xf32, #tpu.memory_space<vmem>>) dst(%dma_wait3A_92 : memref<10240x128xf32, #tpu.memory_space<vmem_shared>>)
            tpu.yield
          }) : () -> ()
          %add3A_57 = arith.constant 2 : i32
          %add3A_58 = arith.addi %add3A_51, %add3A_57 : i32
          %lt3A = arith.constant 40 : i32
          %lt3A_59 = arith.cmpi slt, %add3A_58, %lt3A : i32
          %convert_element_type3A_60 = arith.extui %lt3A_59 : i1 to i32
          %cond3A_61 = arith.constant 0 : i32
          %cond3A_62 = arith.cmpi ne, %convert_element_type3A_60, %cond3A_61 : i32
          scf.if %cond3A_62 {
            %add3A_81 = arith.constant 2 : i32
            %add3A_82 = arith.addi %add3A_51, %add3A_81 : i32
            %dma_start3A_83 = arith.constant 0 : i32
            %dma_start3A_84 = tpu.memref_slice %arg6[%add3A_82, %dma_start3A_83] : memref<40x128xi32, #tpu.memory_space<vmem>> -> memref<1x128xi32, #tpu.memory_space<vmem>>
            %dma_start3A_85 = tpu.memref_squeeze %dma_start3A_84 : memref<1x128xi32, #tpu.memory_space<vmem>> -> memref<128xi32, #tpu.memory_space<vmem>>
            %dma_start3A_86 = arith.constant 0 : i32
            %dma_start3A_87 = arith.constant 0 : i32
            %dma_start3A_88 = tpu.memref_slice %arg2[%dma_start3A_86, %dma_start3A_87] : memref<10000x128xf32, #tpu.memory_space<hbm>> -> memref<10000x128xf32, #tpu.memory_space<hbm>>
            tpu.enqueue_indirect_dma source(%dma_start3A_88 : memref<10000x128xf32, #tpu.memory_space<hbm>>) target(%arg8 : memref<128x128xf32, #tpu.memory_space<vmem>>) offsets(%dma_start3A_85 : memref<128xi32, #tpu.memory_space<vmem>>) semaphore(%arg11 : memref<!tpu.dma_semaphore, #tpu.memory_space<semaphore_mem>>)
          } else {
          }
          %mul3A_63 = arith.constant 2 : i32
          %mul3A_64 = arith.muli %scan3A_46, %mul3A_63 : i32
          %add3A_65 = arith.constant 1 : i32
          %add3A_66 = arith.addi %mul3A_64, %add3A_65 : i32
          %dma_wait3A_67 = arith.constant 0 : i32
          %dma_wait3A_68 = tpu.memref_slice %arg6[%add3A_66, %dma_wait3A_67] : memref<40x128xi32, #tpu.memory_space<vmem>> -> memref<1x128xi32, #tpu.memory_space<vmem>>
          %dma_wait3A_69 = tpu.memref_squeeze %dma_wait3A_68 : memref<1x128xi32, #tpu.memory_space<vmem>> -> memref<128xi32, #tpu.memory_space<vmem>>
          %dma_wait3A_70 = arith.constant 0 : i32
          %dma_wait3A_71 = arith.constant 0 : i32
          %dma_wait3A_72 = tpu.memref_slice %arg2[%dma_wait3A_70, %dma_wait3A_71] : memref<10000x128xf32, #tpu.memory_space<hbm>> -> memref<10000x128xf32, #tpu.memory_space<hbm>>
          tpu.wait_indirect_dma semaphore(%arg12 : memref<!tpu.dma_semaphore, #tpu.memory_space<semaphore_mem>>) src(%dma_wait3A_72 : memref<10000x128xf32, #tpu.memory_space<hbm>>) dst(%arg9 : memref<128x128xf32, #tpu.memory_space<vmem>>)
          "tpu.region"() ({
            %run_scoped3A = tpu.sem_alloc : memref<!tpu.dma_semaphore, #tpu.memory_space<semaphore_mem>>
            %dma_start3A_81 = arith.constant 0 : i32
            %dma_start3A_82 = tpu.memref_slice %arg7[%add3A_66, %dma_start3A_81] : memref<40x128xi32, #tpu.memory_space<vmem>> -> memref<1x128xi32, #tpu.memory_space<vmem>>
            %dma_start3A_83 = tpu.memref_squeeze %dma_start3A_82 : memref<1x128xi32, #tpu.memory_space<vmem>> -> memref<128xi32, #tpu.memory_space<vmem>>
            %dma_start3A_84 = arith.constant 0 : i32
            %dma_start3A_85 = arith.constant 0 : i32
            %dma_start3A_86 = tpu.memref_slice %arg10[%dma_start3A_84, %dma_start3A_85] : memref<10240x128xf32, #tpu.memory_space<vmem_shared>> -> memref<10240x128xf32, #tpu.memory_space<vmem_shared>>
            tpu.enqueue_indirect_dma source(%arg9 : memref<128x128xf32, #tpu.memory_space<vmem>>) target(%dma_start3A_86 : memref<10240x128xf32, #tpu.memory_space<vmem_shared>>) offsets(%dma_start3A_83 : memref<128xi32, #tpu.memory_space<vmem>>) semaphore(%run_scoped3A : memref<!tpu.dma_semaphore, #tpu.memory_space<semaphore_mem>>) {add = true}
            %dma_wait3A_87 = arith.constant 0 : i32
            %dma_wait3A_88 = tpu.memref_slice %arg7[%add3A_66, %dma_wait3A_87] : memref<40x128xi32, #tpu.memory_space<vmem>> -> memref<1x128xi32, #tpu.memory_space<vmem>>
            %dma_wait3A_89 = tpu.memref_squeeze %dma_wait3A_88 : memref<1x128xi32, #tpu.memory_space<vmem>> -> memref<128xi32, #tpu.memory_space<vmem>>
            %dma_wait3A_90 = arith.constant 0 : i32
            %dma_wait3A_91 = arith.constant 0 : i32
            %dma_wait3A_92 = tpu.memref_slice %arg10[%dma_wait3A_90, %dma_wait3A_91] : memref<10240x128xf32, #tpu.memory_space<vmem_shared>> -> memref<10240x128xf32, #tpu.memory_space<vmem_shared>>
            tpu.wait_indirect_dma semaphore(%run_scoped3A : memref<!tpu.dma_semaphore, #tpu.memory_space<semaphore_mem>>) src(%arg9 : memref<128x128xf32, #tpu.memory_space<vmem>>) dst(%dma_wait3A_92 : memref<10240x128xf32, #tpu.memory_space<vmem_shared>>)
            tpu.yield
          }) : () -> ()
          %add3A_73 = arith.constant 2 : i32
          %add3A_74 = arith.addi %add3A_66, %add3A_73 : i32
          %lt3A_75 = arith.constant 40 : i32
          %lt3A_76 = arith.cmpi slt, %add3A_74, %lt3A_75 : i32
          %convert_element_type3A_77 = arith.extui %lt3A_76 : i1 to i32
          %cond3A_78 = arith.constant 0 : i32
          %cond3A_79 = arith.cmpi ne, %convert_element_type3A_77, %cond3A_78 : i32
          scf.if %cond3A_79 {
            %add3A_81 = arith.constant 2 : i32
            %add3A_82 = arith.addi %add3A_66, %add3A_81 : i32
            %dma_start3A_83 = arith.constant 0 : i32
            %dma_start3A_84 = tpu.memref_slice %arg6[%add3A_82, %dma_start3A_83] : memref<40x128xi32, #tpu.memory_space<vmem>> -> memref<1x128xi32, #tpu.memory_space<vmem>>
            %dma_start3A_85 = tpu.memref_squeeze %dma_start3A_84 : memref<1x128xi32, #tpu.memory_space<vmem>> -> memref<128xi32, #tpu.memory_space<vmem>>
            %dma_start3A_86 = arith.constant 0 : i32
            %dma_start3A_87 = arith.constant 0 : i32
            %dma_start3A_88 = tpu.memref_slice %arg2[%dma_start3A_86, %dma_start3A_87] : memref<10000x128xf32, #tpu.memory_space<hbm>> -> memref<10000x128xf32, #tpu.memory_space<hbm>>
            tpu.enqueue_indirect_dma source(%dma_start3A_88 : memref<10000x128xf32, #tpu.memory_space<hbm>>) target(%arg9 : memref<128x128xf32, #tpu.memory_space<vmem>>) offsets(%dma_start3A_85 : memref<128xi32, #tpu.memory_space<vmem>>) semaphore(%arg12 : memref<!tpu.dma_semaphore, #tpu.memory_space<semaphore_mem>>)
          } else {
          }
          %scan3A_80 = arith.constant 0 : i32
          scf.yield %scan3A_80 : i32
        }
        %scan3A_44 = arith.constant 20 : i32
        %scan3A_45 = arith.constant 0 : i32
        scf.yield %scan3A_45 : i32
      }
      %scan3A_19 = arith.constant 4 : i32
    } else {
    }
    %barrier3A_8 = arith.constant 0 : index
    tpu.barrier barrier_id(%barrier3A_8)
    %eq3A_9 = arith.constant 0 : i32
    %eq3A_10 = arith.cmpi eq, %arg0, %eq3A_9 : i32
    %convert_element_type3A_11 = arith.extui %eq3A_10 : i1 to i32
    %cond3A_12 = arith.constant 0 : i32
    %cond3A_13 = arith.cmpi ne, %convert_element_type3A_11, %cond3A_12 : i32
    scf.if %cond3A_13 {
      %mul3A = arith.constant 640 : i32
      %mul3A_14 = arith.muli %arg1, %mul3A : i32
      %mul3A_15 = arith.constant 640 : i32
      %mul3A_16 = arith.muli %arg1, %mul3A_15 : i32
      "tpu.region"() ({
        %run_scoped3A = tpu.sem_alloc : memref<!tpu.dma_semaphore, #tpu.memory_space<semaphore_mem>>
        %dma_start3A = arith.constant 0 : i32
        %dma_start3A_17 = tpu.memref_slice %arg5[%mul3A_16, %dma_start3A] : memref<10240x128xf32, #tpu.memory_space<hbm>> -> memref<640x128xf32, #tpu.memory_space<hbm>>
        %dma_start3A_18 = arith.constant 0 : i32
        %dma_start3A_19 = tpu.memref_slice %arg10[%mul3A_14, %dma_start3A_18] : memref<10240x128xf32, #tpu.memory_space<vmem_shared>> -> memref<640x128xf32, #tpu.memory_space<vmem_shared>>
        tpu.enqueue_dma source(%dma_start3A_19 : memref<640x128xf32, #tpu.memory_space<vmem_shared>>) target(%dma_start3A_17 : memref<640x128xf32, #tpu.memory_space<hbm>>) target_semaphore(%run_scoped3A : memref<!tpu.dma_semaphore, #tpu.memory_space<semaphore_mem>>)
        %dma_wait3A = arith.constant 0 : i32
        %dma_wait3A_20 = tpu.memref_slice %arg5[%mul3A_16, %dma_wait3A] : memref<10240x128xf32, #tpu.memory_space<hbm>> -> memref<640x128xf32, #tpu.memory_space<hbm>>
        %dma_wait3A_21 = arith.constant 0 : i32
        %dma_wait3A_22 = tpu.memref_slice %arg10[%mul3A_14, %dma_wait3A_21] : memref<10240x128xf32, #tpu.memory_space<vmem_shared>> -> memref<640x128xf32, #tpu.memory_space<vmem_shared>>
        tpu.wait_dma2 semaphore(%run_scoped3A : memref<!tpu.dma_semaphore, #tpu.memory_space<semaphore_mem>>) src(%dma_wait3A_22 : memref<640x128xf32, #tpu.memory_space<vmem_shared>>) dst(%dma_wait3A_20 : memref<640x128xf32, #tpu.memory_space<hbm>>)
        tpu.yield
      }) : () -> ()
    } else {
    }
    return
  }
}

#map = affine_map<(d0, d1) -> (0, 0)>
module attributes {stable_mosaic.version = 14 : i64} {
  func.func @_seg_body(%arg0: i32, %arg1: i32, %arg2: memref<10000x128xf32, #tpu.memory_space<hbm>>, %arg3: memref<2560x128xi32, #tpu.memory_space<hbm>>, %arg4: memref<2560x128xi32, #tpu.memory_space<hbm>>, %arg5: memref<10240x128xf32, #tpu.memory_space<hbm>>, %arg6: memref<40x128xi32, #tpu.memory_space<vmem>>, %arg7: memref<40x128xi32, #tpu.memory_space<vmem>>, %arg8: memref<128x128xf32, #tpu.memory_space<vmem>>, %arg9: memref<128x128xf32, #tpu.memory_space<vmem>>, %arg10: memref<10240x128xf32, #tpu.memory_space<vmem_shared>>, %arg11: memref<!tpu.dma_semaphore, #tpu.memory_space<semaphore_mem>>, %arg12: memref<!tpu.dma_semaphore, #tpu.memory_space<semaphore_mem>>) attributes {dimension_semantics = [#tpu.dimension_semantics<core_parallel>, #tpu.dimension_semantics<subcore_parallel>], iteration_bounds = array<i64: 2, 16>, scalar_prefetch = 0 : i64, scratch_operands = 7 : i64, tpu.core_type = #tpu.core_type<sc_vector_subcore>, window_params = [{transform_indices = #map}, {transform_indices = #map}, {transform_indices = #map}, {transform_indices = #map}]} {
    %broadcast_in_dim3A = arith.constant 0.000000e+00 : f32
    %broadcast_in_dim3A_0 = vector.broadcast %broadcast_in_dim3A : f32 to vector<16xf32>
    %eq3A = arith.constant 0 : i32
    %eq3A_1 = arith.cmpi eq, %arg0, %eq3A : i32
    %convert_element_type3A = arith.extui %eq3A_1 : i1 to i32
    %cond3A = arith.constant 0 : i32
    %cond3A_2 = arith.cmpi ne, %convert_element_type3A, %cond3A : i32
    scf.if %cond3A_2 {
      %scan3A = arith.constant 0 : i32
      %scan3A_14 = arith.constant 0 : i32
      %scan3A_15 = arith.constant 128 : i32
      %scan3A_16 = arith.addi %scan3A_14, %scan3A_15 : i32
      %scan3A_17 = arith.constant 1 : i32
      %scan3A_18 = scf.for %scan3A_27 = %scan3A_14 to %scan3A_16 step %scan3A_17 iter_args(%scan3A_28 = %scan3A) -> (i32)  : i32 {
        %scan3A_29 = arith.constant 0 : i32
        %scan3A_30 = arith.constant 0 : i32
        %scan3A_31 = arith.constant 8 : i32
        %scan3A_32 = arith.addi %scan3A_30, %scan3A_31 : i32
        %scan3A_33 = arith.constant 1 : i32
        %scan3A_34 = scf.for %scan3A_37 = %scan3A_30 to %scan3A_32 step %scan3A_33 iter_args(%scan3A_38 = %scan3A_29) -> (i32)  : i32 {
          %mul3A = arith.constant 16 : i32
          %mul3A_39 = arith.muli %scan3A_37, %mul3A : i32
          %swap3A = arith.index_cast %scan3A_27 : i32 to index
          %swap3A_40 = arith.index_cast %mul3A_39 : i32 to index
          %swap3A_41 = tpu.vector_load %arg8[%swap3A, %swap3A_40] {strides = array<i32>} : memref<128x128xf32, #tpu.memory_space<vmem>>, vector<1x16xf32>,
          %swap3A_42 = vector.shape_cast %swap3A_41 : vector<1x16xf32> to vector<16xf32>
          %swap3A_43 = vector.shape_cast %broadcast_in_dim3A_0 : vector<16xf32> to vector<1x16xf32>
          tpu.vector_store %arg8[%swap3A, %swap3A_40], %swap3A_43 {strides = array<i32>} : memref<128x128xf32, #tpu.memory_space<vmem>>, vector<1x16xf32>,
          %scan3A_44 = arith.constant 0 : i32
          scf.yield %scan3A_44 : i32
        }
        %scan3A_35 = arith.constant 8 : i32
        %scan3A_36 = arith.constant 0 : i32
        scf.yield %scan3A_36 : i32
      }
      %scan3A_19 = arith.constant 128 : i32
      %scan3A_20 = arith.constant 0 : i32
      %scan3A_21 = arith.constant 0 : i32
      %scan3A_22 = arith.constant 5 : i32
      %scan3A_23 = arith.addi %scan3A_21, %scan3A_22 : i32
      %scan3A_24 = arith.constant 1 : i32
      %scan3A_25 = scf.for %scan3A_27 = %scan3A_21 to %scan3A_23 step %scan3A_24 iter_args(%scan3A_28 = %scan3A_20) -> (i32)  : i32 {
        %mul3A = arith.constant 640 : i32
        %mul3A_29 = arith.muli %arg1, %mul3A : i32
        %mul3A_30 = arith.constant 128 : i32
        %mul3A_31 = arith.muli %scan3A_27, %mul3A_30 : i32
        %add3A = arith.addi %mul3A_29, %mul3A_31 : i32
        "tpu.region"() ({
          %run_scoped3A = tpu.sem_alloc : memref<!tpu.dma_semaphore, #tpu.memory_space<semaphore_mem>>
          %dma_start3A = arith.constant 0 : i32
          %dma_start3A_33 = tpu.memref_slice %arg10[%add3A, %dma_start3A] : memref<10240x128xf32, #tpu.memory_space<vmem_shared>> -> memref<128x128xf32, #tpu.memory_space<vmem_shared>>
          %dma_start3A_34 = arith.constant 0 : i32
          %dma_start3A_35 = tpu.memref_slice %arg10[%add3A, %dma_start3A_34] : memref<10240x128xf32, #tpu.memory_space<vmem_shared>> -> memref<128x128xf32, #tpu.memory_space<vmem_shared>>
          tpu.enqueue_dma source(%arg8 : memref<128x128xf32, #tpu.memory_space<vmem>>) target(%dma_start3A_35 : memref<128x128xf32, #tpu.memory_space<vmem_shared>>) target_semaphore(%run_scoped3A : memref<!tpu.dma_semaphore, #tpu.memory_space<semaphore_mem>>)
          %dma_wait3A = arith.constant 0 : i32
          %dma_wait3A_36 = tpu.memref_slice %arg10[%add3A, %dma_wait3A] : memref<10240x128xf32, #tpu.memory_space<vmem_shared>> -> memref<128x128xf32, #tpu.memory_space<vmem_shared>>
          %dma_wait3A_37 = arith.constant 0 : i32
          %dma_wait3A_38 = tpu.memref_slice %arg10[%add3A, %dma_wait3A_37] : memref<10240x128xf32, #tpu.memory_space<vmem_shared>> -> memref<128x128xf32, #tpu.memory_space<vmem_shared>>
          tpu.wait_dma2 semaphore(%run_scoped3A : memref<!tpu.dma_semaphore, #tpu.memory_space<semaphore_mem>>) src(%arg8 : memref<128x128xf32, #tpu.memory_space<vmem>>) dst(%dma_wait3A_38 : memref<128x128xf32, #tpu.memory_space<vmem_shared>>)
          tpu.yield
        }) : () -> ()
        %scan3A_32 = arith.constant 0 : i32
        scf.yield %scan3A_32 : i32
      }
      %scan3A_26 = arith.constant 5 : i32
    } else {
    }
    %barrier3A = arith.constant 0 : index
    tpu.barrier barrier_id(%barrier3A)
    %eq3A_3 = arith.constant 0 : i32
    %eq3A_4 = arith.cmpi eq, %arg0, %eq3A_3 : i32
    %convert_element_type3A_5 = arith.extui %eq3A_4 : i1 to i32
    %cond3A_6 = arith.constant 0 : i32
    %cond3A_7 = arith.cmpi ne, %convert_element_type3A_5, %cond3A_6 : i32
    scf.if %cond3A_7 {
      %scan3A = arith.constant 0 : i32
      %scan3A_14 = arith.constant 0 : i32
      %scan3A_15 = arith.constant 4 : i32
      %scan3A_16 = arith.addi %scan3A_14, %scan3A_15 : i32
      %scan3A_17 = arith.constant 1 : i32
      %scan3A_18 = scf.for %scan3A_20 = %scan3A_14 to %scan3A_16 step %scan3A_17 iter_args(%scan3A_21 = %scan3A) -> (i32)  : i32 {
        %mul3A = arith.constant 160 : i32
        %mul3A_22 = arith.muli %arg1, %mul3A : i32
        %mul3A_23 = arith.constant 40 : i32
        %mul3A_24 = arith.muli %scan3A_20, %mul3A_23 : i32
        %add3A = arith.addi %mul3A_22, %mul3A_24 : i32
        "tpu.region"() ({
          %run_scoped3A = tpu.sem_alloc : memref<!tpu.dma_semaphore, #tpu.memory_space<semaphore_mem>>
          %dma_start3A_46 = arith.constant 0 : i32
          %dma_start3A_47 = tpu.memref_slice %arg3[%add3A, %dma_start3A_46] : memref<2560x128xi32, #tpu.memory_space<hbm>> -> memref<40x128xi32, #tpu.memory_space<hbm>>
          %dma_start3A_48 = arith.constant 0 : i32
          %dma_start3A_49 = tpu.memref_slice %arg3[%add3A, %dma_start3A_48] : memref<2560x128xi32, #tpu.memory_space<hbm>> -> memref<40x128xi32, #tpu.memory_space<hbm>>
          tpu.enqueue_dma source(%dma_start3A_49 : memref<40x128xi32, #tpu.memory_space<hbm>>) target(%arg6 : memref<40x128xi32, #tpu.memory_space<vmem>>) target_semaphore(%run_scoped3A : memref<!tpu.dma_semaphore, #tpu.memory_space<semaphore_mem>>)
          %dma_wait3A = arith.constant 0 : i32
          %dma_wait3A_50 = tpu.memref_slice %arg3[%add3A, %dma_wait3A] : memref<2560x128xi32, #tpu.memory_space<hbm>> -> memref<40x128xi32, #tpu.memory_space<hbm>>
          %dma_wait3A_51 = arith.constant 0 : i32
          %dma_wait3A_52 = tpu.memref_slice %arg3[%add3A, %dma_wait3A_51] : memref<2560x128xi32, #tpu.memory_space<hbm>> -> memref<40x128xi32, #tpu.memory_space<hbm>>
          tpu.wait_dma2 semaphore(%run_scoped3A : memref<!tpu.dma_semaphore, #tpu.memory_space<semaphore_mem>>) src(%dma_wait3A_52 : memref<40x128xi32, #tpu.memory_space<hbm>>) dst(%arg6 : memref<40x128xi32, #tpu.memory_space<vmem>>)
          tpu.yield
        }) : () -> ()
        "tpu.region"() ({
          %run_scoped3A = tpu.sem_alloc : memref<!tpu.dma_semaphore, #tpu.memory_space<semaphore_mem>>
          %dma_start3A_46 = arith.constant 0 : i32
          %dma_start3A_47 = tpu.memref_slice %arg4[%add3A, %dma_start3A_46] : memref<2560x128xi32, #tpu.memory_space<hbm>> -> memref<40x128xi32, #tpu.memory_space<hbm>>
          %dma_start3A_48 = arith.constant 0 : i32
          %dma_start3A_49 = tpu.memref_slice %arg4[%add3A, %dma_start3A_48] : memref<2560x128xi32, #tpu.memory_space<hbm>> -> memref<40x128xi32, #tpu.memory_space<hbm>>
          tpu.enqueue_dma source(%dma_start3A_49 : memref<40x128xi32, #tpu.memory_space<hbm>>) target(%arg7 : memref<40x128xi32, #tpu.memory_space<vmem>>) target_semaphore(%run_scoped3A : memref<!tpu.dma_semaphore, #tpu.memory_space<semaphore_mem>>)
          %dma_wait3A = arith.constant 0 : i32
          %dma_wait3A_50 = tpu.memref_slice %arg4[%add3A, %dma_wait3A] : memref<2560x128xi32, #tpu.memory_space<hbm>> -> memref<40x128xi32, #tpu.memory_space<hbm>>
          %dma_wait3A_51 = arith.constant 0 : i32
          %dma_wait3A_52 = tpu.memref_slice %arg4[%add3A, %dma_wait3A_51] : memref<2560x128xi32, #tpu.memory_space<hbm>> -> memref<40x128xi32, #tpu.memory_space<hbm>>
          tpu.wait_dma2 semaphore(%run_scoped3A : memref<!tpu.dma_semaphore, #tpu.memory_space<semaphore_mem>>) src(%dma_wait3A_52 : memref<40x128xi32, #tpu.memory_space<hbm>>) dst(%arg7 : memref<40x128xi32, #tpu.memory_space<vmem>>)
          tpu.yield
        }) : () -> ()
        %dma_start3A = arith.constant 0 : i32
        %dma_start3A_25 = arith.constant 0 : i32
        %dma_start3A_26 = tpu.memref_slice %arg6[%dma_start3A, %dma_start3A_25] : memref<40x128xi32, #tpu.memory_space<vmem>> -> memref<1x128xi32, #tpu.memory_space<vmem>>
        %dma_start3A_27 = tpu.memref_squeeze %dma_start3A_26 : memref<1x128xi32, #tpu.memory_space<vmem>> -> memref<128xi32, #tpu.memory_space<vmem>>
        %dma_start3A_28 = arith.constant 0 : i32
        %dma_start3A_29 = arith.constant 0 : i32
        %dma_start3A_30 = tpu.memref_slice %arg2[%dma_start3A_28, %dma_start3A_29] : memref<10000x128xf32, #tpu.memory_space<hbm>> -> memref<10000x128xf32, #tpu.memory_space<hbm>>
        tpu.enqueue_indirect_dma source(%dma_start3A_30 : memref<10000x128xf32, #tpu.memory_space<hbm>>) target(%arg8 : memref<128x128xf32, #tpu.memory_space<vmem>>) offsets(%dma_start3A_27 : memref<128xi32, #tpu.memory_space<vmem>>) semaphore(%arg11 : memref<!tpu.dma_semaphore, #tpu.memory_space<semaphore_mem>>)
        %dma_start3A_31 = arith.constant 1 : i32
        %dma_start3A_32 = arith.constant 0 : i32
        %dma_start3A_33 = tpu.memref_slice %arg6[%dma_start3A_31, %dma_start3A_32] : memref<40x128xi32, #tpu.memory_space<vmem>> -> memref<1x128xi32, #tpu.memory_space<vmem>>
        %dma_start3A_34 = tpu.memref_squeeze %dma_start3A_33 : memref<1x128xi32, #tpu.memory_space<vmem>> -> memref<128xi32, #tpu.memory_space<vmem>>
        %dma_start3A_35 = arith.constant 0 : i32
        %dma_start3A_36 = arith.constant 0 : i32
        %dma_start3A_37 = tpu.memref_slice %arg2[%dma_start3A_35, %dma_start3A_36] : memref<10000x128xf32, #tpu.memory_space<hbm>> -> memref<10000x128xf32, #tpu.memory_space<hbm>>
        tpu.enqueue_indirect_dma source(%dma_start3A_37 : memref<10000x128xf32, #tpu.memory_space<hbm>>) target(%arg9 : memref<128x128xf32, #tpu.memory_space<vmem>>) offsets(%dma_start3A_34 : memref<128xi32, #tpu.memory_space<vmem>>) semaphore(%arg12 : memref<!tpu.dma_semaphore, #tpu.memory_space<semaphore_mem>>)
        %scan3A_38 = arith.constant 0 : i32
        %scan3A_39 = arith.constant 0 : i32
        %scan3A_40 = arith.constant 20 : i32
        %scan3A_41 = arith.addi %scan3A_39, %scan3A_40 : i32
        %scan3A_42 = arith.constant 1 : i32
        %scan3A_43 = scf.for %scan3A_46 = %scan3A_39 to %scan3A_41 step %scan3A_42 iter_args(%scan3A_47 = %scan3A_38) -> (i32)  : i32 {
          %mul3A_48 = arith.constant 2 : i32
          %mul3A_49 = arith.muli %scan3A_46, %mul3A_48 : i32
          %add3A_50 = arith.constant 0 : i32
          %add3A_51 = arith.addi %mul3A_49, %add3A_50 : i32
          %dma_wait3A = arith.constant 0 : i32
          %dma_wait3A_52 = tpu.memref_slice %arg6[%add3A_51, %dma_wait3A] : memref<40x128xi32, #tpu.memory_space<vmem>> -> memref<1x128xi32, #tpu.memory_space<vmem>>
          %dma_wait3A_53 = tpu.memref_squeeze %dma_wait3A_52 : memref<1x128xi32, #tpu.memory_space<vmem>> -> memref<128xi32, #tpu.memory_space<vmem>>
          %dma_wait3A_54 = arith.constant 0 : i32
          %dma_wait3A_55 = arith.constant 0 : i32
          %dma_wait3A_56 = tpu.memref_slice %arg2[%dma_wait3A_54, %dma_wait3A_55] : memref<10000x128xf32, #tpu.memory_space<hbm>> -> memref<10000x128xf32, #tpu.memory_space<hbm>>
          tpu.wait_indirect_dma semaphore(%arg11 : memref<!tpu.dma_semaphore, #tpu.memory_space<semaphore_mem>>) src(%dma_wait3A_56 : memref<10000x128xf32, #tpu.memory_space<hbm>>) dst(%arg8 : memref<128x128xf32, #tpu.memory_space<vmem>>)
          "tpu.region"() ({
            %run_scoped3A = tpu.sem_alloc : memref<!tpu.dma_semaphore, #tpu.memory_space<semaphore_mem>>
            %dma_start3A_81 = arith.constant 0 : i32
            %dma_start3A_82 = tpu.memref_slice %arg7[%add3A_51, %dma_start3A_81] : memref<40x128xi32, #tpu.memory_space<vmem>> -> memref<1x128xi32, #tpu.memory_space<vmem>>
            %dma_start3A_83 = tpu.memref_squeeze %dma_start3A_82 : memref<1x128xi32, #tpu.memory_space<vmem>> -> memref<128xi32, #tpu.memory_space<vmem>>
            %dma_start3A_84 = arith.constant 0 : i32
            %dma_start3A_85 = arith.constant 0 : i32
            %dma_start3A_86 = tpu.memref_slice %arg10[%dma_start3A_84, %dma_start3A_85] : memref<10240x128xf32, #tpu.memory_space<vmem_shared>> -> memref<10240x128xf32, #tpu.memory_space<vmem_shared>>
            tpu.enqueue_indirect_dma source(%arg8 : memref<128x128xf32, #tpu.memory_space<vmem>>) target(%dma_start3A_86 : memref<10240x128xf32, #tpu.memory_space<vmem_shared>>) offsets(%dma_start3A_83 : memref<128xi32, #tpu.memory_space<vmem>>) semaphore(%run_scoped3A : memref<!tpu.dma_semaphore, #tpu.memory_space<semaphore_mem>>) {add = true}
            %dma_wait3A_87 = arith.constant 0 : i32
            %dma_wait3A_88 = tpu.memref_slice %arg7[%add3A_51, %dma_wait3A_87] : memref<40x128xi32, #tpu.memory_space<vmem>> -> memref<1x128xi32, #tpu.memory_space<vmem>>
            %dma_wait3A_89 = tpu.memref_squeeze %dma_wait3A_88 : memref<1x128xi32, #tpu.memory_space<vmem>> -> memref<128xi32, #tpu.memory_space<vmem>>
            %dma_wait3A_90 = arith.constant 0 : i32
            %dma_wait3A_91 = arith.constant 0 : i32
            %dma_wait3A_92 = tpu.memref_slice %arg10[%dma_wait3A_90, %dma_wait3A_91] : memref<10240x128xf32, #tpu.memory_space<vmem_shared>> -> memref<10240x128xf32, #tpu.memory_space<vmem_shared>>
            tpu.wait_indirect_dma semaphore(%run_scoped3A : memref<!tpu.dma_semaphore, #tpu.memory_space<semaphore_mem>>) src(%arg8 : memref<128x128xf32, #tpu.memory_space<vmem>>) dst(%dma_wait3A_92 : memref<10240x128xf32, #tpu.memory_space<vmem_shared>>)
            tpu.yield
          }) : () -> ()
          %add3A_57 = arith.constant 2 : i32
          %add3A_58 = arith.addi %add3A_51, %add3A_57 : i32
          %lt3A = arith.constant 40 : i32
          %lt3A_59 = arith.cmpi slt, %add3A_58, %lt3A : i32
          %convert_element_type3A_60 = arith.extui %lt3A_59 : i1 to i32
          %cond3A_61 = arith.constant 0 : i32
          %cond3A_62 = arith.cmpi ne, %convert_element_type3A_60, %cond3A_61 : i32
          scf.if %cond3A_62 {
            %add3A_81 = arith.constant 2 : i32
            %add3A_82 = arith.addi %add3A_51, %add3A_81 : i32
            %dma_start3A_83 = arith.constant 0 : i32
            %dma_start3A_84 = tpu.memref_slice %arg6[%add3A_82, %dma_start3A_83] : memref<40x128xi32, #tpu.memory_space<vmem>> -> memref<1x128xi32, #tpu.memory_space<vmem>>
            %dma_start3A_85 = tpu.memref_squeeze %dma_start3A_84 : memref<1x128xi32, #tpu.memory_space<vmem>> -> memref<128xi32, #tpu.memory_space<vmem>>
            %dma_start3A_86 = arith.constant 0 : i32
            %dma_start3A_87 = arith.constant 0 : i32
            %dma_start3A_88 = tpu.memref_slice %arg2[%dma_start3A_86, %dma_start3A_87] : memref<10000x128xf32, #tpu.memory_space<hbm>> -> memref<10000x128xf32, #tpu.memory_space<hbm>>
            tpu.enqueue_indirect_dma source(%dma_start3A_88 : memref<10000x128xf32, #tpu.memory_space<hbm>>) target(%arg8 : memref<128x128xf32, #tpu.memory_space<vmem>>) offsets(%dma_start3A_85 : memref<128xi32, #tpu.memory_space<vmem>>) semaphore(%arg11 : memref<!tpu.dma_semaphore, #tpu.memory_space<semaphore_mem>>)
          } else {
          }
          %mul3A_63 = arith.constant 2 : i32
          %mul3A_64 = arith.muli %scan3A_46, %mul3A_63 : i32
          %add3A_65 = arith.constant 1 : i32
          %add3A_66 = arith.addi %mul3A_64, %add3A_65 : i32
          %dma_wait3A_67 = arith.constant 0 : i32
          %dma_wait3A_68 = tpu.memref_slice %arg6[%add3A_66, %dma_wait3A_67] : memref<40x128xi32, #tpu.memory_space<vmem>> -> memref<1x128xi32, #tpu.memory_space<vmem>>
          %dma_wait3A_69 = tpu.memref_squeeze %dma_wait3A_68 : memref<1x128xi32, #tpu.memory_space<vmem>> -> memref<128xi32, #tpu.memory_space<vmem>>
          %dma_wait3A_70 = arith.constant 0 : i32
          %dma_wait3A_71 = arith.constant 0 : i32
          %dma_wait3A_72 = tpu.memref_slice %arg2[%dma_wait3A_70, %dma_wait3A_71] : memref<10000x128xf32, #tpu.memory_space<hbm>> -> memref<10000x128xf32, #tpu.memory_space<hbm>>
          tpu.wait_indirect_dma semaphore(%arg12 : memref<!tpu.dma_semaphore, #tpu.memory_space<semaphore_mem>>) src(%dma_wait3A_72 : memref<10000x128xf32, #tpu.memory_space<hbm>>) dst(%arg9 : memref<128x128xf32, #tpu.memory_space<vmem>>)
          "tpu.region"() ({
            %run_scoped3A = tpu.sem_alloc : memref<!tpu.dma_semaphore, #tpu.memory_space<semaphore_mem>>
            %dma_start3A_81 = arith.constant 0 : i32
            %dma_start3A_82 = tpu.memref_slice %arg7[%add3A_66, %dma_start3A_81] : memref<40x128xi32, #tpu.memory_space<vmem>> -> memref<1x128xi32, #tpu.memory_space<vmem>>
            %dma_start3A_83 = tpu.memref_squeeze %dma_start3A_82 : memref<1x128xi32, #tpu.memory_space<vmem>> -> memref<128xi32, #tpu.memory_space<vmem>>
            %dma_start3A_84 = arith.constant 0 : i32
            %dma_start3A_85 = arith.constant 0 : i32
            %dma_start3A_86 = tpu.memref_slice %arg10[%dma_start3A_84, %dma_start3A_85] : memref<10240x128xf32, #tpu.memory_space<vmem_shared>> -> memref<10240x128xf32, #tpu.memory_space<vmem_shared>>
            tpu.enqueue_indirect_dma source(%arg9 : memref<128x128xf32, #tpu.memory_space<vmem>>) target(%dma_start3A_86 : memref<10240x128xf32, #tpu.memory_space<vmem_shared>>) offsets(%dma_start3A_83 : memref<128xi32, #tpu.memory_space<vmem>>) semaphore(%run_scoped3A : memref<!tpu.dma_semaphore, #tpu.memory_space<semaphore_mem>>) {add = true}
            %dma_wait3A_87 = arith.constant 0 : i32
            %dma_wait3A_88 = tpu.memref_slice %arg7[%add3A_66, %dma_wait3A_87] : memref<40x128xi32, #tpu.memory_space<vmem>> -> memref<1x128xi32, #tpu.memory_space<vmem>>
            %dma_wait3A_89 = tpu.memref_squeeze %dma_wait3A_88 : memref<1x128xi32, #tpu.memory_space<vmem>> -> memref<128xi32, #tpu.memory_space<vmem>>
            %dma_wait3A_90 = arith.constant 0 : i32
            %dma_wait3A_91 = arith.constant 0 : i32
            %dma_wait3A_92 = tpu.memref_slice %arg10[%dma_wait3A_90, %dma_wait3A_91] : memref<10240x128xf32, #tpu.memory_space<vmem_shared>> -> memref<10240x128xf32, #tpu.memory_space<vmem_shared>>
            tpu.wait_indirect_dma semaphore(%run_scoped3A : memref<!tpu.dma_semaphore, #tpu.memory_space<semaphore_mem>>) src(%arg9 : memref<128x128xf32, #tpu.memory_space<vmem>>) dst(%dma_wait3A_92 : memref<10240x128xf32, #tpu.memory_space<vmem_shared>>)
            tpu.yield
          }) : () -> ()
          %add3A_73 = arith.constant 2 : i32
          %add3A_74 = arith.addi %add3A_66, %add3A_73 : i32
          %lt3A_75 = arith.constant 40 : i32
          %lt3A_76 = arith.cmpi slt, %add3A_74, %lt3A_75 : i32
          %convert_element_type3A_77 = arith.extui %lt3A_76 : i1 to i32
          %cond3A_78 = arith.constant 0 : i32
          %cond3A_79 = arith.cmpi ne, %convert_element_type3A_77, %cond3A_78 : i32
          scf.if %cond3A_79 {
            %add3A_81 = arith.constant 2 : i32
            %add3A_82 = arith.addi %add3A_66, %add3A_81 : i32
            %dma_start3A_83 = arith.constant 0 : i32
            %dma_start3A_84 = tpu.memref_slice %arg6[%add3A_82, %dma_start3A_83] : memref<40x128xi32, #tpu.memory_space<vmem>> -> memref<1x128xi32, #tpu.memory_space<vmem>>
            %dma_start3A_85 = tpu.memref_squeeze %dma_start3A_84 : memref<1x128xi32, #tpu.memory_space<vmem>> -> memref<128xi32, #tpu.memory_space<vmem>>
            %dma_start3A_86 = arith.constant 0 : i32
            %dma_start3A_87 = arith.constant 0 : i32
            %dma_start3A_88 = tpu.memref_slice %arg2[%dma_start3A_86, %dma_start3A_87] : memref<10000x128xf32, #tpu.memory_space<hbm>> -> memref<10000x128xf32, #tpu.memory_space<hbm>>
            tpu.enqueue_indirect_dma source(%dma_start3A_88 : memref<10000x128xf32, #tpu.memory_space<hbm>>) target(%arg9 : memref<128x128xf32, #tpu.memory_space<vmem>>) offsets(%dma_start3A_85 : memref<128xi32, #tpu.memory_space<vmem>>) semaphore(%arg12 : memref<!tpu.dma_semaphore, #tpu.memory_space<semaphore_mem>>)
          } else {
          }
          %scan3A_80 = arith.constant 0 : i32
          scf.yield %scan3A_80 : i32
        }
        %scan3A_44 = arith.constant 20 : i32
        %scan3A_45 = arith.constant 0 : i32
        scf.yield %scan3A_45 : i32
      }
      %scan3A_19 = arith.constant 4 : i32
    } else {
    }
    %barrier3A_8 = arith.constant 0 : index
    tpu.barrier barrier_id(%barrier3A_8)
    %eq3A_9 = arith.constant 0 : i32
    %eq3A_10 = arith.cmpi eq, %arg0, %eq3A_9 : i32
    %convert_element_type3A_11 = arith.extui %eq3A_10 : i1 to i32
    %cond3A_12 = arith.constant 0 : i32
    %cond3A_13 = arith.cmpi ne, %convert_element_type3A_11, %cond3A_12 : i32
    scf.if %cond3A_13 {
      %mul3A = arith.constant 640 : i32
      %mul3A_14 = arith.muli %arg1, %mul3A : i32
      %mul3A_15 = arith.constant 640 : i32
      %mul3A_16 = arith.muli %arg1, %mul3A_15 : i32
      "tpu.region"() ({
        %run_scoped3A = tpu.sem_alloc : memref<!tpu.dma_semaphore, #tpu.memory_space<semaphore_mem>>
        %dma_start3A = arith.constant 0 : i32
        %dma_start3A_17 = tpu.memref_slice %arg5[%mul3A_16, %dma_start3A] : memref<10240x128xf32, #tpu.memory_space<hbm>> -> memref<640x128xf32, #tpu.memory_space<hbm>>
        %dma_start3A_18 = arith.constant 0 : i32
        %dma_start3A_19 = tpu.memref_slice %arg10[%mul3A_14, %dma_start3A_18] : memref<10240x128xf32, #tpu.memory_space<vmem_shared>> -> memref<640x128xf32, #tpu.memory_space<vmem_shared>>
        tpu.enqueue_dma source(%dma_start3A_19 : memref<640x128xf32, #tpu.memory_space<vmem_shared>>) target(%dma_start3A_17 : memref<640x128xf32, #tpu.memory_space<hbm>>) target_semaphore(%run_scoped3A : memref<!tpu.dma_semaphore, #tpu.memory_space<semaphore_mem>>)
        %dma_wait3A = arith.constant 0 : i32
        %dma_wait3A_20 = tpu.memref_slice %arg5[%mul3A_16, %dma_wait3A] : memref<10240x128xf32, #tpu.memory_space<hbm>> -> memref<640x128xf32, #tpu.memory_space<hbm>>
        %dma_wait3A_21 = arith.constant 0 : i32
        %dma_wait3A_22 = tpu.memref_slice %arg10[%mul3A_14, %dma_wait3A_21] : memref<10240x128xf32, #tpu.memory_space<vmem_shared>> -> memref<640x128xf32, #tpu.memory_space<vmem_shared>>
        tpu.wait_dma2 semaphore(%run_scoped3A : memref<!tpu.dma_semaphore, #tpu.memory_space<semaphore_mem>>) src(%dma_wait3A_22 : memref<640x128xf32, #tpu.memory_space<vmem_shared>>) dst(%dma_wait3A_20 : memref<640x128xf32, #tpu.memory_space<hbm>>)
        tpu.yield
      }) : () -> ()
    } else {
    }
    return
  }
}

module attributes {stable_mosaic.version = 14 : i64} {
  func.func @_mm_scale_body(%arg0: i32, %arg1: memref<1000x1xf32, #tpu.memory_space<vmem>>, %arg2: memref<1000x1xf32, #tpu.memory_space<vmem>>, %arg3: memref<1000x128xf32, #tpu.memory_space<vmem>>, %arg4: memref<128x128xf32, #tpu.memory_space<vmem>>, %arg5: memref<1000x128xf32, #tpu.memory_space<vmem>>) attributes {dimension_semantics = [#tpu.dimension_semantics<arbitrary>], iteration_bounds = array<i64: 10>, scalar_prefetch = 0 : i64, scratch_operands = 0 : i64, tpu.core_type = #tpu.core_type<tc>, window_params = [{transform_indices = @transform_0, window_bounds = array<i64: 1000, 1>}, {transform_indices = @transform_1, window_bounds = array<i64: 1000, 1>}, {transform_indices = @transform_2, window_bounds = array<i64: 1000, 128>}, {pipeline_mode = #tpu.pipeline_mode<synchronous>, transform_indices = @transform_3, window_bounds = array<i64: 128, 128>}, {transform_indices = @transform_4, window_bounds = array<i64: 1000, 128>}]} {
    %get3A = arith.constant 0 : index
    %get3A_0 = arith.constant 0 : index
    %get3A_1 = vector.load %arg1[%get3A, %get3A_0] : memref<1000x1xf32, #tpu.memory_space<vmem>>, vector<1000x1xf32>
    %get3A_2 = arith.constant 0 : index
    %get3A_3 = arith.constant 0 : index
    %get3A_4 = vector.load %arg2[%get3A_2, %get3A_3] : memref<1000x1xf32, #tpu.memory_space<vmem>>, vector<1000x1xf32>
    %add3A = arith.addf %get3A_1, %get3A_4 : vector<1000x1xf32>
    %add3A_5 = arith.constant 1.000000e+00 : f32
    %add3A_6 = vector.broadcast %add3A_5 : f32 to vector<1000x1xf32>
    %add3A_7 = arith.addf %add3A, %add3A_6 : vector<1000x1xf32>
    %rsqrt3A = math.rsqrt %add3A_7 : vector<1000x1xf32>
    %get3A_8 = arith.constant 0 : index
    %get3A_9 = arith.constant 0 : index
    %get3A_10 = vector.load %arg3[%get3A_8, %get3A_9] : memref<1000x128xf32, #tpu.memory_space<vmem>>, vector<1000x128xf32>
    %get3A_11 = arith.constant 0 : index
    %get3A_12 = arith.constant 0 : index
    %get3A_13 = vector.load %arg4[%get3A_11, %get3A_12] : memref<128x128xf32, #tpu.memory_space<vmem>>, vector<128x128xf32>
    %dot_general3A = arith.constant dense<0.000000e+00> : vector<1000x128xf32>
    %dot_general3A_14 = tpu.matmul %get3A_10, %get3A_13, %dot_general3A {dimension_numbers = #tpu.dot_dimension_numbers<[1], [0], [0], [1], [0, 0, 1, 1], [], []>, transpose_lhs_hint = false} : vector<1000x128xf32>, vector<128x128xf32>, vector<1000x128xf32> -> vector<1000x128xf32>
    %mul3A = vector.broadcast %rsqrt3A : vector<1000x1xf32> to vector<1000x128xf32>
    %mul3A_15 = arith.mulf %dot_general3A_14, %mul3A : vector<1000x128xf32>
    %swap3A = arith.constant 0 : index
    %swap3A_16 = arith.constant 0 : index
    %swap3A_17 = vector.load %arg5[%swap3A, %swap3A_16] : memref<1000x128xf32, #tpu.memory_space<vmem>>, vector<1000x128xf32>
    tpu.vector_store %arg5[%swap3A, %swap3A_16], %mul3A_15 {strides = array<i32>} : memref<1000x128xf32, #tpu.memory_space<vmem>>, vector<1000x128xf32>,
    return
  }
  func.func @transform_0(%arg0: i32) -> (i32, i32) {
    %c0_i32 = arith.constant 0 : i32
    %c0_i32_0 = arith.constant 0 : i32
    return %arg0, %c0_i32 : i32, i32
  }
  func.func @transform_1(%arg0: i32) -> (i32, i32) {
    %c0_i32 = arith.constant 0 : i32
    %c0_i32_0 = arith.constant 0 : i32
    return %arg0, %c0_i32 : i32, i32
  }
  func.func @transform_2(%arg0: i32) -> (i32, i32) {
    %c0_i32 = arith.constant 0 : i32
    %c0_i32_0 = arith.constant 0 : i32
    return %arg0, %c0_i32 : i32, i32
  }
  func.func @transform_3(%arg0: i32) -> (i32, i32) {
    %c0_i32 = arith.constant 0 : i32
    %c0_i32_0 = arith.constant 0 : i32
    %c0_i32_1 = arith.constant 0 : i32
    return %c0_i32, %c0_i32_0 : i32, i32
  }
  func.func @transform_4(%arg0: i32) -> (i32, i32) {
    %c0_i32 = arith.constant 0 : i32
    %c0_i32_0 = arith.constant 0 : i32
    return %arg0, %c0_i32 : i32, i32
  }
}

module attributes {stable_mosaic.version = 14 : i64} {
  func.func @_mid_body(%arg0: i32, %arg1: memref<1000x1xf32, #tpu.memory_space<vmem>>, %arg2: memref<1000x1xf32, #tpu.memory_space<vmem>>, %arg3: memref<1000x128xf32, #tpu.memory_space<vmem>>, %arg4: memref<1000x128xf32, #tpu.memory_space<vmem>>, %arg5: memref<1x128xf32, #tpu.memory_space<vmem>>, %arg6: memref<128x128xf32, #tpu.memory_space<vmem>>, %arg7: memref<1000x128xf32, #tpu.memory_space<vmem>>) attributes {dimension_semantics = [#tpu.dimension_semantics<arbitrary>], iteration_bounds = array<i64: 10>, scalar_prefetch = 0 : i64, scratch_operands = 0 : i64, tpu.core_type = #tpu.core_type<tc>, window_params = [{transform_indices = @transform_0, window_bounds = array<i64: 1000, 1>}, {transform_indices = @transform_1, window_bounds = array<i64: 1000, 1>}, {transform_indices = @transform_2, window_bounds = array<i64: 1000, 128>}, {transform_indices = @transform_3, window_bounds = array<i64: 1000, 128>}, {pipeline_mode = #tpu.pipeline_mode<synchronous>, transform_indices = @transform_4, window_bounds = array<i64: 1, 128>}, {pipeline_mode = #tpu.pipeline_mode<synchronous>, transform_indices = @transform_5, window_bounds = array<i64: 128, 128>}, {transform_indices = @transform_6, window_bounds = array<i64: 1000, 128>}]} {
    %get3A = arith.constant 0 : index
    %get3A_0 = arith.constant 0 : index
    %get3A_1 = vector.load %arg1[%get3A, %get3A_0] : memref<1000x1xf32, #tpu.memory_space<vmem>>, vector<1000x1xf32>
    %get3A_2 = arith.constant 0 : index
    %get3A_3 = arith.constant 0 : index
    %get3A_4 = vector.load %arg2[%get3A_2, %get3A_3] : memref<1000x1xf32, #tpu.memory_space<vmem>>, vector<1000x1xf32>
    %add3A = arith.addf %get3A_1, %get3A_4 : vector<1000x1xf32>
    %add3A_5 = arith.constant 1.000000e+00 : f32
    %add3A_6 = vector.broadcast %add3A_5 : f32 to vector<1000x1xf32>
    %add3A_7 = arith.addf %add3A, %add3A_6 : vector<1000x1xf32>
    %rsqrt3A = math.rsqrt %add3A_7 : vector<1000x1xf32>
    %get3A_8 = arith.constant 0 : index
    %get3A_9 = arith.constant 0 : index
    %get3A_10 = vector.load %arg3[%get3A_8, %get3A_9] : memref<1000x128xf32, #tpu.memory_space<vmem>>, vector<1000x128xf32>
    %get3A_11 = arith.constant 0 : index
    %get3A_12 = arith.constant 0 : index
    %get3A_13 = vector.load %arg4[%get3A_11, %get3A_12] : memref<1000x128xf32, #tpu.memory_space<vmem>>, vector<1000x128xf32>
    %add3A_14 = arith.addf %get3A_10, %get3A_13 : vector<1000x128xf32>
    %mul3A = vector.broadcast %rsqrt3A : vector<1000x1xf32> to vector<1000x128xf32>
    %mul3A_15 = arith.mulf %add3A_14, %mul3A : vector<1000x128xf32>
    %get3A_16 = arith.constant 0 : index
    %get3A_17 = arith.constant 0 : index
    %get3A_18 = vector.load %arg5[%get3A_16, %get3A_17] : memref<1x128xf32, #tpu.memory_space<vmem>>, vector<1x128xf32>
    %add3A_19 = vector.broadcast %get3A_18 : vector<1x128xf32> to vector<1000x128xf32>
    %add3A_20 = arith.addf %mul3A_15, %add3A_19 : vector<1000x128xf32>
    %max3A = arith.constant 0.000000e+00 : f32
    %max3A_21 = vector.broadcast %max3A : f32 to vector<1000x128xf32>
    %max3A_22 = arith.maximumf %add3A_20, %max3A_21 : vector<1000x128xf32>
    %get3A_23 = arith.constant 0 : index
    %get3A_24 = arith.constant 0 : index
    %get3A_25 = vector.load %arg6[%get3A_23, %get3A_24] : memref<128x128xf32, #tpu.memory_space<vmem>>, vector<128x128xf32>
    %dot_general3A = arith.constant dense<0.000000e+00> : vector<1000x128xf32>
    %dot_general3A_26 = tpu.matmul %max3A_22, %get3A_25, %dot_general3A {dimension_numbers = #tpu.dot_dimension_numbers<[1], [0], [0], [1], [0, 0, 1, 1], [], []>, transpose_lhs_hint = false} : vector<1000x128xf32>, vector<128x128xf32>, vector<1000x128xf32> -> vector<1000x128xf32>
    %mul3A_27 = vector.broadcast %rsqrt3A : vector<1000x1xf32> to vector<1000x128xf32>
    %mul3A_28 = arith.mulf %dot_general3A_26, %mul3A_27 : vector<1000x128xf32>
    %swap3A = arith.constant 0 : index
    %swap3A_29 = arith.constant 0 : index
    %swap3A_30 = vector.load %arg7[%swap3A, %swap3A_29] : memref<1000x128xf32, #tpu.memory_space<vmem>>, vector<1000x128xf32>
    tpu.vector_store %arg7[%swap3A, %swap3A_29], %mul3A_28 {strides = array<i32>} : memref<1000x128xf32, #tpu.memory_space<vmem>>, vector<1000x128xf32>,
    return
  }
  func.func @transform_0(%arg0: i32) -> (i32, i32) {
    %c0_i32 = arith.constant 0 : i32
    %c0_i32_0 = arith.constant 0 : i32
    return %arg0, %c0_i32 : i32, i32
  }
  func.func @transform_1(%arg0: i32) -> (i32, i32) {
    %c0_i32 = arith.constant 0 : i32
    %c0_i32_0 = arith.constant 0 : i32
    return %arg0, %c0_i32 : i32, i32
  }
  func.func @transform_2(%arg0: i32) -> (i32, i32) {
    %c0_i32 = arith.constant 0 : i32
    %c0_i32_0 = arith.constant 0 : i32
    return %arg0, %c0_i32 : i32, i32
  }
  func.func @transform_3(%arg0: i32) -> (i32, i32) {
    %c0_i32 = arith.constant 0 : i32
    %c0_i32_0 = arith.constant 0 : i32
    return %arg0, %c0_i32 : i32, i32
  }
  func.func @transform_4(%arg0: i32) -> (i32, i32) {
    %c0_i32 = arith.constant 0 : i32
    %c0_i32_0 = arith.constant 0 : i32
    %c0_i32_1 = arith.constant 0 : i32
    return %c0_i32, %c0_i32_0 : i32, i32
  }
  func.func @transform_5(%arg0: i32) -> (i32, i32) {
    %c0_i32 = arith.constant 0 : i32
    %c0_i32_0 = arith.constant 0 : i32
    %c0_i32_1 = arith.constant 0 : i32
    return %c0_i32, %c0_i32_0 : i32, i32
  }
  func.func @transform_6(%arg0: i32) -> (i32, i32) {
    %c0_i32 = arith.constant 0 : i32
    %c0_i32_0 = arith.constant 0 : i32
    return %arg0, %c0_i32 : i32, i32
  }
}

module attributes {stable_mosaic.version = 14 : i64} {
  func.func @_out_body(%arg0: i32, %arg1: memref<1000x1xf32, #tpu.memory_space<vmem>>, %arg2: memref<1000x1xf32, #tpu.memory_space<vmem>>, %arg3: memref<1000x128xf32, #tpu.memory_space<vmem>>, %arg4: memref<1000x128xf32, #tpu.memory_space<vmem>>, %arg5: memref<1x128xf32, #tpu.memory_space<vmem>>, %arg6: memref<1000x128xf32, #tpu.memory_space<vmem>>) attributes {dimension_semantics = [#tpu.dimension_semantics<arbitrary>], iteration_bounds = array<i64: 10>, scalar_prefetch = 0 : i64, scratch_operands = 0 : i64, tpu.core_type = #tpu.core_type<tc>, window_params = [{transform_indices = @transform_0, window_bounds = array<i64: 1000, 1>}, {transform_indices = @transform_1, window_bounds = array<i64: 1000, 1>}, {transform_indices = @transform_2, window_bounds = array<i64: 1000, 128>}, {transform_indices = @transform_3, window_bounds = array<i64: 1000, 128>}, {pipeline_mode = #tpu.pipeline_mode<synchronous>, transform_indices = @transform_4, window_bounds = array<i64: 1, 128>}, {transform_indices = @transform_5, window_bounds = array<i64: 1000, 128>}]} {
    %get3A = arith.constant 0 : index
    %get3A_0 = arith.constant 0 : index
    %get3A_1 = vector.load %arg1[%get3A, %get3A_0] : memref<1000x1xf32, #tpu.memory_space<vmem>>, vector<1000x1xf32>
    %get3A_2 = arith.constant 0 : index
    %get3A_3 = arith.constant 0 : index
    %get3A_4 = vector.load %arg2[%get3A_2, %get3A_3] : memref<1000x1xf32, #tpu.memory_space<vmem>>, vector<1000x1xf32>
    %add3A = arith.addf %get3A_1, %get3A_4 : vector<1000x1xf32>
    %add3A_5 = arith.constant 1.000000e+00 : f32
    %add3A_6 = vector.broadcast %add3A_5 : f32 to vector<1000x1xf32>
    %add3A_7 = arith.addf %add3A, %add3A_6 : vector<1000x1xf32>
    %rsqrt3A = math.rsqrt %add3A_7 : vector<1000x1xf32>
    %get3A_8 = arith.constant 0 : index
    %get3A_9 = arith.constant 0 : index
    %get3A_10 = vector.load %arg3[%get3A_8, %get3A_9] : memref<1000x128xf32, #tpu.memory_space<vmem>>, vector<1000x128xf32>
    %get3A_11 = arith.constant 0 : index
    %get3A_12 = arith.constant 0 : index
    %get3A_13 = vector.load %arg4[%get3A_11, %get3A_12] : memref<1000x128xf32, #tpu.memory_space<vmem>>, vector<1000x128xf32>
    %add3A_14 = arith.addf %get3A_10, %get3A_13 : vector<1000x128xf32>
    %mul3A = vector.broadcast %rsqrt3A : vector<1000x1xf32> to vector<1000x128xf32>
    %mul3A_15 = arith.mulf %add3A_14, %mul3A : vector<1000x128xf32>
    %get3A_16 = arith.constant 0 : index
    %get3A_17 = arith.constant 0 : index
    %get3A_18 = vector.load %arg5[%get3A_16, %get3A_17] : memref<1x128xf32, #tpu.memory_space<vmem>>, vector<1x128xf32>
    %add3A_19 = vector.broadcast %get3A_18 : vector<1x128xf32> to vector<1000x128xf32>
    %add3A_20 = arith.addf %mul3A_15, %add3A_19 : vector<1000x128xf32>
    %max3A = arith.constant 0.000000e+00 : f32
    %max3A_21 = vector.broadcast %max3A : f32 to vector<1000x128xf32>
    %max3A_22 = arith.maximumf %add3A_20, %max3A_21 : vector<1000x128xf32>
    %swap3A = arith.constant 0 : index
    %swap3A_23 = arith.constant 0 : index
    %swap3A_24 = vector.load %arg6[%swap3A, %swap3A_23] : memref<1000x128xf32, #tpu.memory_space<vmem>>, vector<1000x128xf32>
    tpu.vector_store %arg6[%swap3A, %swap3A_23], %max3A_22 {strides = array<i32>} : memref<1000x128xf32, #tpu.memory_space<vmem>>, vector<1000x128xf32>,
    return
  }
  func.func @transform_0(%arg0: i32) -> (i32, i32) {
    %c0_i32 = arith.constant 0 : i32
    %c0_i32_0 = arith.constant 0 : i32
    return %arg0, %c0_i32 : i32, i32
  }
  func.func @transform_1(%arg0: i32) -> (i32, i32) {
    %c0_i32 = arith.constant 0 : i32
    %c0_i32_0 = arith.constant 0 : i32
    return %arg0, %c0_i32 : i32, i32
  }
  func.func @transform_2(%arg0: i32) -> (i32, i32) {
    %c0_i32 = arith.constant 0 : i32
    %c0_i32_0 = arith.constant 0 : i32
    return %arg0, %c0_i32 : i32, i32
  }
  func.func @transform_3(%arg0: i32) -> (i32, i32) {
    %c0_i32 = arith.constant 0 : i32
    %c0_i32_0 = arith.constant 0 : i32
    return %arg0, %c0_i32 : i32, i32
  }
  func.func @transform_4(%arg0: i32) -> (i32, i32) {
    %c0_i32 = arith.constant 0 : i32
    %c0_i32_0 = arith.constant 0 : i32
    %c0_i32_1 = arith.constant 0 : i32
    return %c0_i32, %c0_i32_0 : i32, i32
  }
  func.func @transform_5(%arg0: i32) -> (i32, i32) {
    %c0_i32 = arith.constant 0 : i32
    %c0_i32_0 = arith.constant 0 : i32
    return %arg0, %c0_i32 : i32, i32
  }
}

</mosaic_0001>

<sc_bundles>
// kernel: kernel.11.cloned.1.call-start
scs
__scs_entry_jumppad:
0x0: {  	(pc) =	sbr.rel $0x88, $3  }
0x1: {  	(tag) =	ssettag $0x0;
	lr =	simm.s32 $0x1  }
0x2: {  	[smem:$0x3F9B] =	sst lr;
	_ =	strace $0xD0000000  }
0x3: {  	_ = 	snop  }
0x4: {  	_ = 	snop  }
0x5: {  	_ = 	snop  }
0x6: {  	_ = 	snop  }
0x7: {  	_ = 	snop  }
__scs_overlays_trampoline_lowered:
0x8: {  	[smem:$0x3FAA] =	sst s0  }
0x9: {  	[smem:$0x3FAB] =	sst s1  }
0xa: {  	[smem:$0x3FAC] =	sst s2  }
0xb: {  	[smem:$0x3FAD] =	sst s3  }
0xc: {  	[smem:$0x3FAE] =	sst s4  }
0xd: {  	[smem:$0x3FAF] =	sst s5  }
0xe: {  	[smem:$0x3FB0] =	sst s6  }
0xf: {  	[smem:$0x3FB1] =	sst s7  }
0x10: {  	[smem:$0x3FB2] =	sst s8  }
0x11: {  	[smem:$0x3FB3] =	sst s9;
	s0 =	simm.s32 @!p0 $0x0  }
0x12: {  	s1 =	sld [smem:$0x3F99];
	s0 =	simm.s32 @p0 $0x1  }
0x13: {  	[smem:$0x3FB4] =	sst s0;
	s0 =	simm.s32 @!p1 $0x0  }
0x14: {  	s2 =	sld [smem:$0x3F98];
	s0 =	simm.s32 @p1 $0x1  }
0x15: {  	[smem:$0x3FB5] =	sst s0;
	s0 =	simm.s32 @!p2 $0x0  }
0x16: {  	s3 =	sld [smem:$0x3FDB];
	s0 =	simm.s32 @p2 $0x1  }
0x17: {  	s4 =	simm.s32 $0x1BF5;
	[smem:$0x3FB7] =	sst s0  }
0x18: {  	s0 =	sld [smem:$0x3F9A];
	_ =	swait.ge [sflag:s4], $0x0  }
0x19: {  	s7 =	sld [smem:$0x3F9B]  }
0x1a: {  	s8 =	sadd.s32 $0xFFFFE003, lr  }
0x1b: {  	s9 =	sadd.s32 $0xFFFFFEF7, lr;
	s5 =	simm.s32 $0xFFFFFFFF;
	p2 =	slt.u32 s8, $0xFFFFF086  }
0x1c: {  	p1 =	slt.u32 s9, $0xF7A;
	s5 =	simm.s32 @!p2 $0x0  }
0x1d: {  	s5 =	simm.s32 @p1 $0x1;
	p0 =	seq.s32 s7, s2  }
0x1e: {  	s7 =	smul.u32 @!p0 $0xF7A, s2;
	p2 =	seq.s32 @!p0 s5, $0x0  }
0x1f: {  	s9 =	smul.u32 $0xF7A, s1;
	s8 =	simm.s32 @!p0 $0x1BF5;
	p2 =	por !p2, p0  }
0x20: {  	[sflag:s8] =	ssyncset.s32 @!p0 $0xFFFFF086;
	s6 =	sadd.s32 @!p0 s3, s7;
	s7 =	simm.s32 @!p0 $0x108  }
0x21: {  	s3 =	sadd.s32 s3, s9;
	s6 =	sadd.s32 @!p0 $0x88, s6;
	s7 =	simm.s32 @p2 $0x1082  }
0x22: {  	[simem:s7], [sflag:s8] =	dma.local @!p0 [hbm:s6], $0xF7A  }
0x23: {  	s9 =	sor.u32 $0xD0000000, s2;
	s6 =	simm.s32 $0x108;
	_ =	swait.ge @!p0 [sflag:s8], $0x0  }
0x24: {  	s3 =	sadd.s32 $0x88, s3;
	s6 =	simm.s32 @!p1 $0x1082;
	[sflag:s4] =	ssyncset.s32 $0xFFFFF086  }
0x25: {  	[simem:s6], [sflag:s4] =	dma.local [hbm:s3], $0xF7A  }
0x26: {  	[smem:$0x3F9B] =	sst s1;
	(tag) =	ssettag s2;
	_ =	strace s9  }
0x27: {  	s1 =	sld [smem:$0x3FAB]  }
0x28: {  	s2 =	sld [smem:$0x3FAC]  }
0x29: {  	s4 =	sld [smem:$0x3FAE]  }
0x2a: {  	p0 =	seq.s32 s5, $0x0;
	s5 =	sld [smem:$0x3FAF]  }
0x2b: {  	s6 =	sld [smem:$0x3FB0]  }
0x2c: {  	s7 =	sld [smem:$0x3FB1]  }
0x2d: {  	s3 =	simm.s32 $0x108;
	s8 =	sld [smem:$0x3FB2]  }
0x2e: {  	s3 =	simm.s32 @!p0 $0x1082;
	s9 =	sld [smem:$0x3FB3]  }
0x2f: {  	lr =	sadd.s32 s0, s3;
	s0 =	sld [smem:$0x3FAA]  }
0x30: {  	s3 =	sld [smem:$0x3FAD]  }
0x31: {  	[smem:$0x3FB6] =	sst s10  }
0x32: {  	s10 =	sld [smem:$0x3FB4];
	_ =	sdelay $0x3  }
0x33: {  	p0 =	seq.s32 s10, $0x1;
	s10 =	sld [smem:$0x3FB6];
	_ =	sdelay $0x3  }
0x34: {  	[smem:$0x3FB6] =	sst s10  }
0x35: {  	s10 =	sld [smem:$0x3FB5];
	_ =	sdelay $0x3  }
0x36: {  	p1 =	seq.s32 s10, $0x1;
	s10 =	sld [smem:$0x3FB6];
	_ =	sdelay $0x3  }
0x37: {  	[smem:$0x3FB6] =	sst s10  }
0x38: {  	s10 =	sld [smem:$0x3FB7]  }
0x39: {  	_ = 	snop;
	(pc) =	sbr.ind lr, $3  }
0x3a: {  	_ = 	snop  }
0x3b: {  	_ = 	snop  }
0x3c: {  	p2 =	seq.s32 s10, $0x1;
	s10 =	sld [smem:$0x3FB6]  }
0x3d: {  	_ =	shalt  }
0x3e: {  	_ =	shalt  }
0x3f: {  	_ =	shalt  }
0x40: {  	_ =	shalt  }
0x41: {  	_ =	shalt  }
0x42: {  	_ =	shalt  }
0x43: {  	_ =	shalt  }
0x44: {  	_ =	shalt  }
0x45: {  	_ =	shalt  }
0x46: {  	_ =	shalt  }
0x47: {  	_ =	shalt  }
0x48: {  	_ =	shalt  }
0x49: {  	_ =	shalt  }
0x4a: {  	_ =	shalt  }
0x4b: {  	_ =	shalt  }
0x4c: {  	_ =	shalt  }
0x4d: {  	_ =	shalt  }
0x4e: {  	_ =	shalt  }
0x4f: {  	_ =	shalt  }
0x50: {  	_ =	shalt  }
0x51: {  	_ =	shalt  }
0x52: {  	_ =	shalt  }
0x53: {  	_ =	shalt  }
0x54: {  	_ =	shalt  }
0x55: {  	_ =	shalt  }
0x56: {  	_ =	shalt  }
0x57: {  	_ =	shalt  }
0x58: {  	_ =	shalt  }
0x59: {  	_ =	shalt  }
0x5a: {  	_ =	shalt  }
0x5b: {  	_ =	shalt  }
0x5c: {  	_ =	shalt  }
0x5d: {  	_ =	shalt  }
0x5e: {  	_ =	shalt  }
0x5f: {  	_ =	shalt  }
0x60: {  	_ =	shalt  }
0x61: {  	_ =	shalt  }
0x62: {  	_ =	shalt  }
0x63: {  	_ =	shalt  }
0x64: {  	_ =	shalt  }
0x65: {  	_ =	shalt  }
0x66: {  	_ =	shalt  }
0x67: {  	_ =	shalt  }
0x68: {  	_ =	shalt  }
0x69: {  	_ =	shalt  }
0x6a: {  	_ =	shalt  }
0x6b: {  	_ =	shalt  }
0x6c: {  	_ =	shalt  }
0x6d: {  	_ =	shalt  }
0x6e: {  	_ =	shalt  }
0x6f: {  	_ =	shalt  }
0x70: {  	_ =	shalt  }
0x71: {  	_ =	shalt  }
0x72: {  	_ =	shalt  }
0x73: {  	_ =	shalt  }
0x74: {  	_ =	shalt  }
0x75: {  	_ =	shalt  }
0x76: {  	_ =	shalt  }
0x77: {  	_ =	shalt  }
0x78: {  	_ =	shalt  }
0x79: {  	_ =	shalt  }
0x7a: {  	_ =	shalt  }
0x7b: {  	_ =	shalt  }
0x7c: {  	_ =	shalt  }
0x7d: {  	_ =	shalt  }
0x7e: {  	_ =	shalt  }
0x7f: {  	_ =	shalt  }
0x80: {  	_ =	shalt  }
0x81: {  	_ =	shalt  }
0x82: {  	_ =	shalt  }
0x83: {  	_ =	shalt  }
0x84: {  	_ =	shalt  }
0x85: {  	_ =	shalt  }
0x86: {  	_ =	shalt  }
0x87: {  	_ =	shalt  }
.Lfunc_end0:
.L_simem_size_0:
called_computation.1_lowered:
.L_overlay_start_0:
0x88: {  	s2 =	sld [smem:$0x3FD9]  }
0x89: {  	s3 =	sld [smem:$0x3FFE];
	_ =	sdelay $0x1  }
0x8a: {  	s1 =	srdreg.scid  }
0x8b: {  	s0 =	sand.u32 $0x1, s1  }
0x8c: {  	s17 =	sshll.u32 s0, $0xA;
	s2 =	sadd.s32 s3, s2  }
0x8d: {  	s2 =	sadd.s32 s2, s17  }
0x8e: {  	[smem:$0x3FC2] =	sst s2  }
0x8f: {  	_ = 	snop  }
0x90: {  	s2 =	sld [smem:$0x3FD0];
	(tm) =	ssettm $0x1  }
0x91: {  	s18 =	sld [smem:$0x3FFB];
	_ =	sdelay $0x3  }
0x92: {  	_ =	strace s18  }
0x93: {  	s3 =	sld [smem:$0x3FFC];
	_ =	sdelay $0x3  }
0x94: {  	_ =	strace s3  }
0x95: {  	s3 =	sld [smem:$0x3FFD];
	_ =	sdelay $0x3  }
0x96: {  	_ =	strace s3  }
0x97: {  	_ =	strace $0x8FFFFFFF  }
0x98: {  	s19 =	sld [smem:$0x3FDB];
	_ =	sdelay $0x1  }
0x99: {  	s4 =	simm.s32 $_scs_section_size  }
0x9a: {  	s5 =	simm.s32 $_size__tile_overlayer_lowered;
	s6 =	simm.s32 $_tile_overlayer_lowered  }
0x9b: {  	s22 =	simm.s32 $0x1BFF;
	s21 =	sshll.u32 s6, $0x1;
	s3 =	sadd.s32 s4, s19  }
0x9c: {  	s7 =	simm.s32 $0x0;
	s20 =	sshll.u32 s5, $0x1;
	s5 =	sadd.s32 s21, s3  }
0x9d: {  	[timem:s7], [sflag:s22] =	dma.local [hbm:s5], s20  }
0x9e: {  	_ =	swait.ge [sflag:s22], s20  }
0x9f: {  	s4 =	ssub.s32 $0x0, s20;
	[sflag:s22] =	ssyncset.done $0x0  }
0xa0: {  	[sflag:s22] =	ssyncadd.s32 s4;
	_ =	sdelay $0x1  }
0xa1: {  	s23 =	simm.s32 $0x1B8B  }
0xa2: {  	_ =	swait.ge [sflag:s23], $0x1  }
0xa3: {  	[sflag:s23] =	ssyncset.done $0x0  }
0xa4: {  	s25 =	simm.s32 $0x1B8E;
	s24 =	sld [smem:$0x3FFE];
	[sflag:s23] =	ssyncadd.s32 $0xFFFFFFFF  }
0xa5: {  	s26 =	simm.s32 $execute0_lowered;
	[smem:$0x3FD2] =	sst s25  }
0xa6: {  	s5 =	sshll.u32 s26, $0x1;
	_ =	strace $0x80000049;
	[dreg:$0x1] =	wrdreg $0xFFFFFFFF  }
0xa7: {  	s28 =	simm.s32 $_size_execute0_lowered;
	s3 =	sadd.s32 s3, s5;
	[dreg:$0x0] =	wrdreg $0x0  }
0xa8: {  	s5 =	sshll.u32 s28, $0x1;
	[dreg:$0x2] =	wrdreg s3  }
0xa9: {  	[dreg:$0x3] =	wrdreg s5  }
0xaa: {  	[dreg:$0x4] =	wrdreg $0xC0  }
0xab: {  	_ =	task [dreg:s7], $0x5FFFF  }
0xac: {  	[dreg:$0x1] =	wrdreg $0xFFFFFFFF  }
0xad: {  	[dreg:$0x0] =	wrdreg $0x60  }
0xae: {  	[dreg:$0x2] =	wrdreg s2  }
0xaf: {  	[dreg:$0x3] =	wrdreg s24  }
0xb0: {  	[dreg:$0x4] =	wrdreg $0xA8000  }
0xb1: {  	[dreg:$0x5] =	wrdreg $0x9  }
0xb2: {  	_ =	task.clear_ibuf [dreg:s7], $0x6FFFF;
	_ =	strace $0x90000049  }
0xb3: {  	s29 =	simm.s32 $0x9;
	_ =	strace $0x8000004B  }
0xb4: {  	_ =	swait.ge [sflag:s29], $0x1  }
0xb5: {  	[sflag:s29] =	ssyncadd.s32 $0xFFFFFFFF  }
0xb6: {  	_ =	strace $0x9000004B  }
0xb7: {  	_ =	sfence  }
0xb8: {  	s30 =	sld [smem:$0x0];
	_ =	sdelay $0x2  }
0xb9: {  	s31 =	sshll.u32 s1, $0xD;
	s1 =	sshrl.u32 s1, $0x2  }
0xba: {  	s3 =	sand.u32 $0x4000, s31;
	s1 =	sadd.s32 s1, s30  }
0xbb: {  	s0 =	sor.u32 s3, s0;
	s1 =	sshll.u32 s1, $0x11  }
0xbc: {  	s0 =	sor.u32 s1, s0  }
0xbd: {  	s0 =	sadd.s32 $0x8F2B, s0  }
0xbe: {  	[sflag:s0] =	ssyncadd.remote.s32 $0x1  }
0xbf: {  	_ =	sfence.sel $0xFFFF  }
0xc0: {  	[dreg:$0x0] =	wrdreg $0xFFFFFFFF;
	(pc) =	sbr.abs _section_cstart, $3  }
0xc1: {  	[dreg:$0x1] =	wrdreg $0xFFFFFFFF  }
0xc2: {  	_ =	task.clear_ibuf [dreg:s7], $0x2FFFF;
	_ =	strace $0x9FFFFFFF  }
0xc3: {  	(tm) =	ssettm $0x7FFFFFFF  }
tec
execute0_lowered:
.L_overlay_start_1:
0x0: {  	(tag) =	ssettag $0x1  }
0x1: {  	s1 =	rddreg [dreg:$0x0]  }
0x2: {  	s7 =	rddreg [dreg:$0x1]  }
0x3: {  	s3 =	rddreg [dreg:$0x2]  }
0x4: {  	s0 =	rddreg [dreg:$0x3];
	s4 =	simm.s32 $0x0;
	s2 =	stileid.u32  }
0x5: {  	s5 =	srdreg.scid;
	s16 =	simm.s32 $0x3;
	s17 =	simm.s32 $0x1400  }
0x6: {  	s18 =	simm.s32 $0x80;
	s19 =	simm.s32 $0x6800;
	s20 =	simm.s32 $0x1  }
0x7: {  	s21 =	simm.s32 $0x2;
	s22 =	simm.s32 $0x2700;
	s23 =	simm.s32 $0x2780  }
0x8: {  	s24 =	simm.s32 $0x0;
	[smem:$0x7FF] =	sst s4;
	s8 =	smul.u32 $0x50000, s2  }
0x9: {  	s15 =	sand.u32 $0x1, s5;
	s5 =	sadd.s32 $0x2800, s7;
	s9 =	smul.u32 $0x2800, s2  }
0xa: {  	s6 =	sadd.s32 $0xC800, s7;
	_ =	strace $0x8000004A;
	s10 =	ssub.s32 $0x2, s15  }
.Ltmp0:
0xb: {  	p0 =	seq.s32 s15, $0x0;
	s15 =	simm.s32 $0x2800;
	(pc) =	sbr.rel .LBB2_1-.Ltmp0, $4  }
0xc: {  	s11 =	sshrl.u32 s10, $0x1;
	s8 =	sshrl.u32 s8, $0x2;
	s9 =	sadd.s32 s9, s7  }
0xd: {  	s10 =	ssub.s32 s10, s11;
	s7 =	sadd.s32 s8, s3;
	s8 =	smul.u32 $0xA0, s2  }
0xe: {  	s9 =	sadd.s32 $0x16800, s9;
	s10 =	smax.u32 s10, $0x1;
	s11 =	sadd.s32 $0x4000, s7  }
0xf: {  	v0 =	vimm.f32 $0.0e+00;
	s12 =	sadd.s32 $0x8000, s7;
	s13 =	sadd.s32 $0xC000, s7;
	s14 =	sadd.s32 $0x10000, s7  }
.LBB2_11:
0x10: {  	[bflag:$0x0] =	sbarrier.arrive $0xFFFF  }
0x11: {  	[bflag:$0x0] =	sbarrier.arrive $0xFFFF  }
.LBB2_9:
0x12: {  	s24 =	sadd.s32 $0x1, s24  }
0x13: {  	p1 =	sne.s32 s24, s10  }
.Ltmp1:
0x14: {  	_ = 	snop;
	(pc) =	sbr.rel @!p1 .LBB2_10-.Ltmp1, $1  }
0x15: {  	_ =	sdelay $0x3  }
.LBB2_1:
.Ltmp2:
0x16: {  	(pc) =	sbr.rel @!p0 .LBB2_11-.Ltmp2, $1  }
0x17: {  	_ =	sdelay $0x3  }
0x18: {  	s25 =	sshra.s32 s4, $0x2;
	s26 =	sadd.s32 $0x200, s4  }
.LBB2_3:
0x19: {  	p1 =	seq.s32 s26, $0xFE00;
	[tilespmem:s25+$0x2870] =	vst v0  }
0x1a: {  	[tilespmem:s25+$0x2800] =	vst v0  }
0x1b: {  	[tilespmem:s25+$0x2810] =	vst v0  }
.Ltmp3:
0x1c: {  	[tilespmem:s25+$0x2820] =	vst v0;
	(pc) =	sbr.rel @!p1 .LBB2_3-.Ltmp3, $4  }
0x1d: {  	[tilespmem:s25+$0x2830] =	vst v0  }
0x1e: {  	[tilespmem:s25+$0x2840] =	vst v0  }
0x1f: {  	[tilespmem:s25+$0x2850] =	vst v0  }
0x20: {  	[tilespmem:s25+$0x2860] =	vst v0;
	s25 =	sshra.s32 s26, $0x2;
	s26 =	sadd.s32 $0x200, s26  }
0x21: {  	[tilespmem:s25+$0x2870] =	vst v0  }
0x22: {  	[tilespmem:s25+$0x2800] =	vst v0  }
0x23: {  	[tilespmem:s25+$0x2810] =	vst v0  }
0x24: {  	[tilespmem:s25+$0x2820] =	vst v0  }
0x25: {  	[tilespmem:s25+$0x2830] =	vst v0  }
0x26: {  	[tilespmem:s25+$0x2840] =	vst v0  }
0x27: {  	[tilespmem:s25+$0x2850] =	vst v0  }
0x28: {  	[tilespmem:s25+$0x2860] =	vst v0  }
0x29: {  	[spmem:s7] =	stream.linear.scatter [tilespmem:s15], [sflag:$0x3], $0x4000, $0x38;
	[tilespmem:$0x1E800] =	vst v63  }
0x2a: {  	_ =	swait.ge [sflag:s16], $0x4000  }
0x2b: {  	[sflag:s16] =	ssyncset.done $0x0  }
0x2c: {  	[sflag:s16] =	ssyncadd.s32 $0xFFFFC000  }
0x2d: {  	[spmem:s11] =	stream.linear.scatter [tilespmem:s15], [sflag:$0x3], $0x4000, $0x38;
	[tilespmem:$0x1E800] =	vst v63  }
0x2e: {  	_ =	swait.ge [sflag:s16], $0x4000  }
0x2f: {  	[sflag:s16] =	ssyncset.done $0x0  }
0x30: {  	[sflag:s16] =	ssyncadd.s32 $0xFFFFC000  }
0x31: {  	[spmem:s12] =	stream.linear.scatter [tilespmem:s15], [sflag:$0x3], $0x4000, $0x38;
	[tilespmem:$0x1E800] =	vst v63  }
0x32: {  	_ =	swait.ge [sflag:s16], $0x4000  }
0x33: {  	[sflag:s16] =	ssyncset.done $0x0  }
0x34: {  	[sflag:s16] =	ssyncadd.s32 $0xFFFFC000  }
0x35: {  	[spmem:s13] =	stream.linear.scatter [tilespmem:s15], [sflag:$0x3], $0x4000, $0x38;
	[tilespmem:$0x1E800] =	vst v63  }
0x36: {  	_ =	swait.ge [sflag:s16], $0x4000  }
0x37: {  	[sflag:s16] =	ssyncset.done $0x0  }
0x38: {  	[sflag:s16] =	ssyncadd.s32 $0xFFFFC000  }
0x39: {  	[spmem:s14] =	stream.linear.scatter [tilespmem:s15], [sflag:$0x3], $0x4000, $0x38;
	[tilespmem:$0x1E800] =	vst v63  }
0x3a: {  	_ =	swait.ge [sflag:s16], $0x4000  }
0x3b: {  	[sflag:s16] =	ssyncset.done $0x0  }
0x3c: {  	[sflag:s16] =	ssyncadd.s32 $0xFFFFC000  }
0x3d: {  	s25 =	simm.s32 $0x0;
	s26 =	simm.s32 $0x0;
	[bflag:$0x0] =	sbarrier.arrive $0xFFFF  }
.LBB2_5:
0x3e: {  	s28 =	smul.u32 $0x28, s26;
	_ =	sdelay $0x1  }
0x3f: {  	s28 =	sadd.s32 s8, s28  }
0x40: {  	s28 =	sshll.u32 s28, $0x4  }
0x41: {  	s29 =	sadd.s32 s5, s28  }
0x42: {  	[tilespmem:s25], [sflag:$0x3] =	stream.linear.gather [hbm4b:s29+s25], $0x1400, $0x38;
	[tilespmem:$0x1E800] =	vst v63  }
0x43: {  	_ =	swait.ge [sflag:s16], $0x1400  }
0x44: {  	[sflag:s16] =	ssyncset.done $0x0  }
0x45: {  	s28 =	sadd.s32 s6, s28;
	[sflag:s16] =	ssyncadd.s32 $0xFFFFEC00  }
0x46: {  	[tilespmem:s17], [sflag:$0x3] =	stream.linear.gather [hbm4b:s28+s25], $0x1400, $0x38;
	[tilespmem:$0x1E800] =	vst v63  }
0x47: {  	_ =	swait.ge [sflag:s16], $0x1400  }
0x48: {  	[sflag:s16] =	ssyncset.done $0x0  }
0x49: {  	[sflag:s16] =	ssyncadd.s32 $0xFFFFEC00  }
0x4a: {  	[tilespmem:s15], [sflag:$0x1] =	stream.indirect.gather [hbm4b:s1+s18], $0x80, s25, s18, $0xb8;
	[tilespmem:$0x1E800] =	vst v63  }
0x4b: {  	_ = 	snop  }
0x4c: {  	[tilespmem:s19], [sflag:$0x2] =	stream.indirect.gather [hbm4b:s1+s18], $0x80, s18, s18, $0xb8;
	[tilespmem:$0x1E800] =	vst v63  }
0x4d: {  	_ =	swait.ge [sflag:s20], $0x4000  }
0x4e: {  	[sflag:s20] =	ssyncset.done $0x0  }
0x4f: {  	s28 =	simm.s32 $0x1400;
	[sflag:s20] =	ssyncadd.s32 $0xFFFFC000  }
0x50: {  	[spmem:s3] =	stream.indirect.scatter.add.f32 [tilespmem:s15], [sflag:$0x3], $0x80, s28, s18, $0xb8;
	[tilespmem:$0x1E800] =	vst v63  }
0x51: {  	_ =	swait.ge [sflag:s16], $0x4000  }
0x52: {  	[sflag:s16] =	ssyncset.done $0x0  }
0x53: {  	s28 =	simm.s32 $0x100;
	[sflag:s16] =	ssyncadd.s32 $0xFFFFC000  }
0x54: {  	[tilespmem:s15], [sflag:$0x1] =	stream.indirect.gather [hbm4b:s1+s18], $0x80, s28, s18, $0xb8;
	[tilespmem:$0x1E800] =	vst v63  }
0x55: {  	_ =	swait.ge [sflag:s21], $0x4000  }
0x56: {  	[sflag:s21] =	ssyncset.done $0x0  }
0x57: {  	s28 =	simm.s32 $0x1480;
	[sflag:s21] =	ssyncadd.s32 $0xFFFFC000  }
0x58: {  	[spmem:s3] =	stream.indirect.scatter.add.f32 [tilespmem:s19], [sflag:$0x3], $0x80, s28, s18, $0xb8;
	[tilespmem:$0x1E800] =	vst v63  }
0x59: {  	_ =	swait.ge [sflag:s16], $0x4000  }
0x5a: {  	[sflag:s16] =	ssyncset.done $0x0  }
0x5b: {  	s29 =	simm.s32 $0x180;
	s28 =	simm.s32 $0x400;
	[sflag:s16] =	ssyncadd.s32 $0xFFFFC000  }
.LBB2_6:
0x5c: {  	[tilespmem:s19], [sflag:$0x2] =	stream.indirect.gather [hbm4b:s1+s18], $0x80, s29, s18, $0xb8;
	[tilespmem:$0x1E800] =	vst v63  }
0x5d: {  	s29 =	smov.u32 s28  }
0x5e: {  	p1 =	sne.s32 s28, $0x4800;
	s28 =	sadd.s32 $0x400, s28;
	_ =	swait.ge [sflag:s20], $0x4000  }
0x5f: {  	s29 =	sshra.s32 s29, $0x2;
	[sflag:s20] =	ssyncset.done $0x0  }
0x60: {  	s30 =	sadd.s32 $0x1400, s29;
	[sflag:s20] =	ssyncadd.s32 $0xFFFFC000  }
0x61: {  	[spmem:s3] =	stream.indirect.scatter.add.f32 [tilespmem:s15], [sflag:$0x3], $0x80, s30, s18, $0xb8;
	[tilespmem:$0x1E800] =	vst v63  }
0x62: {  	_ =	swait.ge [sflag:s16], $0x4000  }
0x63: {  	[sflag:s16] =	ssyncset.done $0x0  }
0x64: {  	s30 =	sadd.s32 $0x100, s29;
	[sflag:s16] =	ssyncadd.s32 $0xFFFFC000  }
0x65: {  	[tilespmem:s15], [sflag:$0x1] =	stream.indirect.gather [hbm4b:s1+s18], $0x80, s30, s18, $0xb8;
	[tilespmem:$0x1E800] =	vst v63  }
0x66: {  	_ =	swait.ge [sflag:s21], $0x4000  }
0x67: {  	[sflag:s21] =	ssyncset.done $0x0  }
.Ltmp4:
0x68: {  	s30 =	sadd.s32 $0x1480, s29;
	[sflag:s21] =	ssyncadd.s32 $0xFFFFC000;
	(pc) =	sbr.rel @p1 .LBB2_6-.Ltmp4, $4  }
0x69: {  	[spmem:s3] =	stream.indirect.scatter.add.f32 [tilespmem:s19], [sflag:$0x3], $0x80, s30, s18, $0xb8;
	[tilespmem:$0x1E800] =	vst v63  }
0x6a: {  	_ =	swait.ge [sflag:s16], $0x4000  }
0x6b: {  	[sflag:s16] =	ssyncset.done $0x0  }
0x6c: {  	s29 =	sadd.s32 $0x180, s29;
	[sflag:s16] =	ssyncadd.s32 $0xFFFFC000  }
0x6d: {  	[tilespmem:s19], [sflag:$0x2] =	stream.indirect.gather [hbm4b:s1+s18], $0x80, s29, s18, $0xb8;
	[tilespmem:$0x1E800] =	vst v63  }
0x6e: {  	_ =	swait.ge [sflag:s20], $0x4000  }
0x6f: {  	[sflag:s20] =	ssyncset.done $0x0  }
0x70: {  	[sflag:s20] =	ssyncadd.s32 $0xFFFFC000  }
0x71: {  	[spmem:s3] =	stream.indirect.scatter.add.f32 [tilespmem:s15], [sflag:$0x3], $0x80, s22, s18, $0xb8;
	[tilespmem:$0x1E800] =	vst v63  }
0x72: {  	_ =	swait.ge [sflag:s16], $0x4000  }
0x73: {  	[sflag:s16] =	ssyncset.done $0x0  }
0x74: {  	[sflag:s16] =	ssyncadd.s32 $0xFFFFC000  }
0x75: {  	s26 =	sadd.s32 $0x1, s26;
	_ =	swait.ge [sflag:s21], $0x4000  }
0x76: {  	p1 =	seq.s32 s26, $0x4;
	[sflag:s21] =	ssyncset.done $0x0  }
.Ltmp5:
0x77: {  	[sflag:s21] =	ssyncadd.s32 $0xFFFFC000;
	(pc) =	sbr.rel @!p1 .LBB2_5-.Ltmp5, $4  }
0x78: {  	[spmem:s3] =	stream.indirect.scatter.add.f32 [tilespmem:s19], [sflag:$0x3], $0x80, s23, s18, $0xb8;
	[tilespmem:$0x1E800] =	vst v63  }
0x79: {  	_ =	swait.ge [sflag:s16], $0x4000  }
0x7a: {  	[sflag:s16] =	ssyncset.done $0x0  }
0x7b: {  	[sflag:s16] =	ssyncadd.s32 $0xFFFFC000  }
0x7c: {  	s25 =	sshll.u32 s2, $0x6;
	[bflag:$0x0] =	sbarrier.arrive $0xFFFF  }
.Ltmp6:
0x7d: {  	s26 =	sshrl.u32 s7, $0x3;
	s25 =	sor.u32 $0x1C03, s25;
	(pc) =	sbr.rel .LBB2_9-.Ltmp6, $4  }
0x7e: {  	[hbm:s9], [sflag:s25] =	dma.local [spmem:s26], $0x2800  }
0x7f: {  	_ =	swait.ge [sflag:s16], $0x2800  }
0x80: {  	[sflag:s16] =	ssyncset.done $0x0  }
0x81: {  	[sflag:s16] =	ssyncadd.s32 $0xFFFFD800  }
.LBB2_10:
0x82: {  	_ =	sfence.sel $0x180000  }
0x83: {  	[bflag:$0x0] =	sbarrier.arrive $0xFFFF  }
0x84: {  	p0 =	sne.s32 s2, $0x0;
	_ =	strace $0x9000004A  }
0x85: {  	s0 =	sadd.s32 @!p0 $0x100000, s0;
	[bflag:$0x2] =	sbarrier.arrive $0xFFFF  }
0x86: {  	[sflag:s0] =	ssyncadd.tile.s32 @!p0 $0x1;
	_ =	shalt  }
.Lfunc_end2:
_tile_overlayer_lowered:
.L_overlay_start_2:
0x87: {  	(tag) =	ssettag $0x2  }
0x88: {  	s0 =	rddreg [dreg:$0x0];
	s2 =	stileid.u32  }
0x89: {  	s1 =	rddreg [dreg:$0x1];
	p0 =	sne.s32 s2, $0x0  }
0x8a: {  	s3 =	rddreg [dreg:$0x2];
	[bflag:$0x3] =	sbarrier.arrive $0xFFFF;
	s2 =	simm.s32 @!p0 $0x1C03  }
0x8b: {  	[timem:s3], [sflag:s2] =	dma.local @!p0 [hbm:s0], s1  }
0x8c: {  	s0 =	simm.s32 @!p0 $0x3  }
0x8d: {  	_ =	swait.ge @!p0 [sflag:s0], s1  }
0x8e: {  	s1 =	ssub.s32 @!p0 $0x0, s1;
	[sflag:s0] =	ssyncset.done @!p0 $0x0  }
0x8f: {  	[sflag:s0] =	ssyncadd.s32 @!p0 s1  }
0x90: {  	[bflag:$0x3] =	sbarrier.arrive $0xFFFF  }
0x91: {  	_ =	shalt  }

// kernel: kernel.14.cloned.1.call-start
scs
__scs_entry_jumppad:
0x0: {  	(pc) =	sbr.rel $0x88, $3  }
0x1: {  	(tag) =	ssettag $0x0;
	lr =	simm.s32 $0x1  }
0x2: {  	[smem:$0x3F9B] =	sst lr;
	_ =	strace $0xD0000000  }
0x3: {  	_ = 	snop  }
0x4: {  	_ = 	snop  }
0x5: {  	_ = 	snop  }
0x6: {  	_ = 	snop  }
0x7: {  	_ = 	snop  }
__scs_overlays_trampoline_lowered:
0x8: {  	[smem:$0x3FAA] =	sst s0  }
0x9: {  	[smem:$0x3FAB] =	sst s1  }
0xa: {  	[smem:$0x3FAC] =	sst s2  }
0xb: {  	[smem:$0x3FAD] =	sst s3  }
0xc: {  	[smem:$0x3FAE] =	sst s4  }
0xd: {  	[smem:$0x3FAF] =	sst s5  }
0xe: {  	[smem:$0x3FB0] =	sst s6  }
0xf: {  	[smem:$0x3FB1] =	sst s7  }
0x10: {  	[smem:$0x3FB2] =	sst s8  }
0x11: {  	[smem:$0x3FB3] =	sst s9;
	s0 =	simm.s32 @!p0 $0x0  }
0x12: {  	s1 =	sld [smem:$0x3F99];
	s0 =	simm.s32 @p0 $0x1  }
0x13: {  	[smem:$0x3FB4] =	sst s0;
	s0 =	simm.s32 @!p1 $0x0  }
0x14: {  	s2 =	sld [smem:$0x3F98];
	s0 =	simm.s32 @p1 $0x1  }
0x15: {  	[smem:$0x3FB5] =	sst s0;
	s0 =	simm.s32 @!p2 $0x0  }
0x16: {  	s3 =	sld [smem:$0x3FDB];
	s0 =	simm.s32 @p2 $0x1  }
0x17: {  	s4 =	simm.s32 $0x1BF5;
	[smem:$0x3FB7] =	sst s0  }
0x18: {  	s0 =	sld [smem:$0x3F9A];
	_ =	swait.ge [sflag:s4], $0x0  }
0x19: {  	s7 =	sld [smem:$0x3F9B]  }
0x1a: {  	s8 =	sadd.s32 $0xFFFFE003, lr  }
0x1b: {  	s9 =	sadd.s32 $0xFFFFFEF7, lr;
	s5 =	simm.s32 $0xFFFFFFFF;
	p2 =	slt.u32 s8, $0xFFFFF086  }
0x1c: {  	p1 =	slt.u32 s9, $0xF7A;
	s5 =	simm.s32 @!p2 $0x0  }
0x1d: {  	s5 =	simm.s32 @p1 $0x1;
	p0 =	seq.s32 s7, s2  }
0x1e: {  	s7 =	smul.u32 @!p0 $0xF7A, s2;
	p2 =	seq.s32 @!p0 s5, $0x0  }
0x1f: {  	s9 =	smul.u32 $0xF7A, s1;
	s8 =	simm.s32 @!p0 $0x1BF5;
	p2 =	por !p2, p0  }
0x20: {  	[sflag:s8] =	ssyncset.s32 @!p0 $0xFFFFF086;
	s6 =	sadd.s32 @!p0 s3, s7;
	s7 =	simm.s32 @!p0 $0x108  }
0x21: {  	s3 =	sadd.s32 s3, s9;
	s6 =	sadd.s32 @!p0 $0x88, s6;
	s7 =	simm.s32 @p2 $0x1082  }
0x22: {  	[simem:s7], [sflag:s8] =	dma.local @!p0 [hbm:s6], $0xF7A  }
0x23: {  	s9 =	sor.u32 $0xD0000000, s2;
	s6 =	simm.s32 $0x108;
	_ =	swait.ge @!p0 [sflag:s8], $0x0  }
0x24: {  	s3 =	sadd.s32 $0x88, s3;
	s6 =	simm.s32 @!p1 $0x1082;
	[sflag:s4] =	ssyncset.s32 $0xFFFFF086  }
0x25: {  	[simem:s6], [sflag:s4] =	dma.local [hbm:s3], $0xF7A  }
0x26: {  	[smem:$0x3F9B] =	sst s1;
	(tag) =	ssettag s2;
	_ =	strace s9  }
0x27: {  	s1 =	sld [smem:$0x3FAB]  }
0x28: {  	s2 =	sld [smem:$0x3FAC]  }
0x29: {  	s4 =	sld [smem:$0x3FAE]  }
0x2a: {  	p0 =	seq.s32 s5, $0x0;
	s5 =	sld [smem:$0x3FAF]  }
0x2b: {  	s6 =	sld [smem:$0x3FB0]  }
0x2c: {  	s7 =	sld [smem:$0x3FB1]  }
0x2d: {  	s3 =	simm.s32 $0x108;
	s8 =	sld [smem:$0x3FB2]  }
0x2e: {  	s3 =	simm.s32 @!p0 $0x1082;
	s9 =	sld [smem:$0x3FB3]  }
0x2f: {  	lr =	sadd.s32 s0, s3;
	s0 =	sld [smem:$0x3FAA]  }
0x30: {  	s3 =	sld [smem:$0x3FAD]  }
0x31: {  	[smem:$0x3FB6] =	sst s10  }
0x32: {  	s10 =	sld [smem:$0x3FB4];
	_ =	sdelay $0x3  }
0x33: {  	p0 =	seq.s32 s10, $0x1;
	s10 =	sld [smem:$0x3FB6];
	_ =	sdelay $0x3  }
0x34: {  	[smem:$0x3FB6] =	sst s10  }
0x35: {  	s10 =	sld [smem:$0x3FB5];
	_ =	sdelay $0x3  }
0x36: {  	p1 =	seq.s32 s10, $0x1;
	s10 =	sld [smem:$0x3FB6];
	_ =	sdelay $0x3  }
0x37: {  	[smem:$0x3FB6] =	sst s10  }
0x38: {  	s10 =	sld [smem:$0x3FB7]  }
0x39: {  	_ = 	snop;
	(pc) =	sbr.ind lr, $3  }
0x3a: {  	_ = 	snop  }
0x3b: {  	_ = 	snop  }
0x3c: {  	p2 =	seq.s32 s10, $0x1;
	s10 =	sld [smem:$0x3FB6]  }
0x3d: {  	_ =	shalt  }
0x3e: {  	_ =	shalt  }
0x3f: {  	_ =	shalt  }
0x40: {  	_ =	shalt  }
0x41: {  	_ =	shalt  }
0x42: {  	_ =	shalt  }
0x43: {  	_ =	shalt  }
0x44: {  	_ =	shalt  }
0x45: {  	_ =	shalt  }
0x46: {  	_ =	shalt  }
0x47: {  	_ =	shalt  }
0x48: {  	_ =	shalt  }
0x49: {  	_ =	shalt  }
0x4a: {  	_ =	shalt  }
0x4b: {  	_ =	shalt  }
0x4c: {  	_ =	shalt  }
0x4d: {  	_ =	shalt  }
0x4e: {  	_ =	shalt  }
0x4f: {  	_ =	shalt  }
0x50: {  	_ =	shalt  }
0x51: {  	_ =	shalt  }
0x52: {  	_ =	shalt  }
0x53: {  	_ =	shalt  }
0x54: {  	_ =	shalt  }
0x55: {  	_ =	shalt  }
0x56: {  	_ =	shalt  }
0x57: {  	_ =	shalt  }
0x58: {  	_ =	shalt  }
0x59: {  	_ =	shalt  }
0x5a: {  	_ =	shalt  }
0x5b: {  	_ =	shalt  }
0x5c: {  	_ =	shalt  }
0x5d: {  	_ =	shalt  }
0x5e: {  	_ =	shalt  }
0x5f: {  	_ =	shalt  }
0x60: {  	_ =	shalt  }
0x61: {  	_ =	shalt  }
0x62: {  	_ =	shalt  }
0x63: {  	_ =	shalt  }
0x64: {  	_ =	shalt  }
0x65: {  	_ =	shalt  }
0x66: {  	_ =	shalt  }
0x67: {  	_ =	shalt  }
0x68: {  	_ =	shalt  }
0x69: {  	_ =	shalt  }
0x6a: {  	_ =	shalt  }
0x6b: {  	_ =	shalt  }
0x6c: {  	_ =	shalt  }
0x6d: {  	_ =	shalt  }
0x6e: {  	_ =	shalt  }
0x6f: {  	_ =	shalt  }
0x70: {  	_ =	shalt  }
0x71: {  	_ =	shalt  }
0x72: {  	_ =	shalt  }
0x73: {  	_ =	shalt  }
0x74: {  	_ =	shalt  }
0x75: {  	_ =	shalt  }
0x76: {  	_ =	shalt  }
0x77: {  	_ =	shalt  }
0x78: {  	_ =	shalt  }
0x79: {  	_ =	shalt  }
0x7a: {  	_ =	shalt  }
0x7b: {  	_ =	shalt  }
0x7c: {  	_ =	shalt  }
0x7d: {  	_ =	shalt  }
0x7e: {  	_ =	shalt  }
0x7f: {  	_ =	shalt  }
0x80: {  	_ =	shalt  }
0x81: {  	_ =	shalt  }
0x82: {  	_ =	shalt  }
0x83: {  	_ =	shalt  }
0x84: {  	_ =	shalt  }
0x85: {  	_ =	shalt  }
0x86: {  	_ =	shalt  }
0x87: {  	_ =	shalt  }
.Lfunc_end0:
.L_simem_size_0:
called_computation.2_lowered:
.L_overlay_start_0:
0x88: {  	s2 =	sld [smem:$0x3FD9]  }
0x89: {  	s3 =	sld [smem:$0x3FFE];
	_ =	sdelay $0x1  }
0x8a: {  	s1 =	srdreg.scid  }
0x8b: {  	s0 =	sand.u32 $0x1, s1  }
0x8c: {  	s17 =	sshll.u32 s0, $0xA;
	s2 =	sadd.s32 s3, s2  }
0x8d: {  	s2 =	sadd.s32 s2, s17  }
0x8e: {  	[smem:$0x3FC2] =	sst s2  }
0x8f: {  	_ = 	snop  }
0x90: {  	s2 =	sld [smem:$0x3FD0];
	(tm) =	ssettm $0x1  }
0x91: {  	s18 =	sld [smem:$0x3FFB];
	_ =	sdelay $0x3  }
0x92: {  	_ =	strace s18  }
0x93: {  	s3 =	sld [smem:$0x3FFC];
	_ =	sdelay $0x3  }
0x94: {  	_ =	strace s3  }
0x95: {  	s3 =	sld [smem:$0x3FFD];
	_ =	sdelay $0x3  }
0x96: {  	_ =	strace s3  }
0x97: {  	_ =	strace $0x8FFFFFFF  }
0x98: {  	s19 =	sld [smem:$0x3FDB];
	_ =	sdelay $0x1  }
0x99: {  	s4 =	simm.s32 $_scs_section_size  }
0x9a: {  	s5 =	simm.s32 $_size__tile_overlayer_lowered;
	s6 =	simm.s32 $_tile_overlayer_lowered  }
0x9b: {  	s22 =	simm.s32 $0x1BFF;
	s21 =	sshll.u32 s6, $0x1;
	s3 =	sadd.s32 s4, s19  }
0x9c: {  	s7 =	simm.s32 $0x0;
	s20 =	sshll.u32 s5, $0x1;
	s5 =	sadd.s32 s21, s3  }
0x9d: {  	[timem:s7], [sflag:s22] =	dma.local [hbm:s5], s20  }
0x9e: {  	_ =	swait.ge [sflag:s22], s20  }
0x9f: {  	s4 =	ssub.s32 $0x0, s20;
	[sflag:s22] =	ssyncset.done $0x0  }
0xa0: {  	[sflag:s22] =	ssyncadd.s32 s4;
	_ =	sdelay $0x1  }
0xa1: {  	s23 =	simm.s32 $0x1B8B  }
0xa2: {  	_ =	swait.ge [sflag:s23], $0x1  }
0xa3: {  	[sflag:s23] =	ssyncset.done $0x0  }
0xa4: {  	s25 =	simm.s32 $0x1B8E;
	s24 =	sld [smem:$0x3FFE];
	[sflag:s23] =	ssyncadd.s32 $0xFFFFFFFF  }
0xa5: {  	s26 =	simm.s32 $execute0_lowered;
	[smem:$0x3FD2] =	sst s25  }
0xa6: {  	s5 =	sshll.u32 s26, $0x1;
	_ =	strace $0x8000004C;
	[dreg:$0x1] =	wrdreg $0xFFFFFFFF  }
0xa7: {  	s28 =	simm.s32 $_size_execute0_lowered;
	s3 =	sadd.s32 s3, s5;
	[dreg:$0x0] =	wrdreg $0x0  }
0xa8: {  	s5 =	sshll.u32 s28, $0x1;
	[dreg:$0x2] =	wrdreg s3  }
0xa9: {  	[dreg:$0x3] =	wrdreg s5  }
0xaa: {  	[dreg:$0x4] =	wrdreg $0xC0  }
0xab: {  	_ =	task [dreg:s7], $0x5FFFF  }
0xac: {  	[dreg:$0x1] =	wrdreg $0xFFFFFFFF  }
0xad: {  	[dreg:$0x0] =	wrdreg $0x60  }
0xae: {  	[dreg:$0x2] =	wrdreg s2  }
0xaf: {  	[dreg:$0x3] =	wrdreg s24  }
0xb0: {  	[dreg:$0x4] =	wrdreg $0xA8000  }
0xb1: {  	[dreg:$0x5] =	wrdreg $0x9  }
0xb2: {  	_ =	task.clear_ibuf [dreg:s7], $0x6FFFF;
	_ =	strace $0x9000004C  }
0xb3: {  	s29 =	simm.s32 $0x9;
	_ =	strace $0x8000004E  }
0xb4: {  	_ =	swait.ge [sflag:s29], $0x1  }
0xb5: {  	[sflag:s29] =	ssyncadd.s32 $0xFFFFFFFF  }
0xb6: {  	_ =	strace $0x9000004E  }
0xb7: {  	_ =	sfence  }
0xb8: {  	s30 =	sld [smem:$0x0];
	_ =	sdelay $0x2  }
0xb9: {  	s31 =	sshll.u32 s1, $0xD;
	s1 =	sshrl.u32 s1, $0x2  }
0xba: {  	s3 =	sand.u32 $0x4000, s31;
	s1 =	sadd.s32 s1, s30  }
0xbb: {  	s0 =	sor.u32 s3, s0;
	s1 =	sshll.u32 s1, $0x11  }
0xbc: {  	s0 =	sor.u32 s1, s0  }
0xbd: {  	s0 =	sadd.s32 $0x8F2B, s0  }
0xbe: {  	[sflag:s0] =	ssyncadd.remote.s32 $0x1  }
0xbf: {  	_ =	sfence.sel $0xFFFF  }
0xc0: {  	[dreg:$0x0] =	wrdreg $0xFFFFFFFF;
	(pc) =	sbr.abs _section_cstart, $3  }
0xc1: {  	[dreg:$0x1] =	wrdreg $0xFFFFFFFF  }
0xc2: {  	_ =	task.clear_ibuf [dreg:s7], $0x2FFFF;
	_ =	strace $0x9FFFFFFF  }
0xc3: {  	(tm) =	ssettm $0x7FFFFFFF  }
tec
execute0_lowered:
.L_overlay_start_1:
0x0: {  	(tag) =	ssettag $0x1  }
0x1: {  	s1 =	rddreg [dreg:$0x0]  }
0x2: {  	s7 =	rddreg [dreg:$0x1]  }
0x3: {  	s3 =	rddreg [dreg:$0x2]  }
0x4: {  	s0 =	rddreg [dreg:$0x3];
	s4 =	simm.s32 $0x0;
	s2 =	stileid.u32  }
0x5: {  	s5 =	srdreg.scid;
	s16 =	simm.s32 $0x3;
	s17 =	simm.s32 $0x1400  }
0x6: {  	s18 =	simm.s32 $0x80;
	s19 =	simm.s32 $0x6800;
	s20 =	simm.s32 $0x1  }
0x7: {  	s21 =	simm.s32 $0x2;
	s22 =	simm.s32 $0x2700;
	s23 =	simm.s32 $0x2780  }
0x8: {  	s24 =	simm.s32 $0x0;
	[smem:$0x7FF] =	sst s4;
	s8 =	smul.u32 $0x50000, s2  }
0x9: {  	s15 =	sand.u32 $0x1, s5;
	s5 =	sadd.s32 $0x2800, s7;
	s9 =	smul.u32 $0x2800, s2  }
0xa: {  	s6 =	sadd.s32 $0xC800, s7;
	_ =	strace $0x8000004D;
	s10 =	ssub.s32 $0x2, s15  }
.Ltmp0:
0xb: {  	p0 =	seq.s32 s15, $0x0;
	s15 =	simm.s32 $0x2800;
	(pc) =	sbr.rel .LBB2_1-.Ltmp0, $4  }
0xc: {  	s11 =	sshrl.u32 s10, $0x1;
	s8 =	sshrl.u32 s8, $0x2;
	s9 =	sadd.s32 s9, s7  }
0xd: {  	s10 =	ssub.s32 s10, s11;
	s7 =	sadd.s32 s8, s3;
	s8 =	smul.u32 $0xA0, s2  }
0xe: {  	s9 =	sadd.s32 $0x16800, s9;
	s10 =	smax.u32 s10, $0x1;
	s11 =	sadd.s32 $0x4000, s7  }
0xf: {  	v0 =	vimm.f32 $0.0e+00;
	s12 =	sadd.s32 $0x8000, s7;
	s13 =	sadd.s32 $0xC000, s7;
	s14 =	sadd.s32 $0x10000, s7  }
.LBB2_11:
0x10: {  	[bflag:$0x0] =	sbarrier.arrive $0xFFFF  }
0x11: {  	[bflag:$0x0] =	sbarrier.arrive $0xFFFF  }
.LBB2_9:
0x12: {  	s24 =	sadd.s32 $0x1, s24  }
0x13: {  	p1 =	sne.s32 s24, s10  }
.Ltmp1:
0x14: {  	_ = 	snop;
	(pc) =	sbr.rel @!p1 .LBB2_10-.Ltmp1, $1  }
0x15: {  	_ =	sdelay $0x3  }
.LBB2_1:
.Ltmp2:
0x16: {  	(pc) =	sbr.rel @!p0 .LBB2_11-.Ltmp2, $1  }
0x17: {  	_ =	sdelay $0x3  }
0x18: {  	s25 =	sshra.s32 s4, $0x2;
	s26 =	sadd.s32 $0x200, s4  }
.LBB2_3:
0x19: {  	p1 =	seq.s32 s26, $0xFE00;
	[tilespmem:s25+$0x2870] =	vst v0  }
0x1a: {  	[tilespmem:s25+$0x2800] =	vst v0  }
0x1b: {  	[tilespmem:s25+$0x2810] =	vst v0  }
.Ltmp3:
0x1c: {  	[tilespmem:s25+$0x2820] =	vst v0;
	(pc) =	sbr.rel @!p1 .LBB2_3-.Ltmp3, $4  }
0x1d: {  	[tilespmem:s25+$0x2830] =	vst v0  }
0x1e: {  	[tilespmem:s25+$0x2840] =	vst v0  }
0x1f: {  	[tilespmem:s25+$0x2850] =	vst v0  }
0x20: {  	[tilespmem:s25+$0x2860] =	vst v0;
	s25 =	sshra.s32 s26, $0x2;
	s26 =	sadd.s32 $0x200, s26  }
0x21: {  	[tilespmem:s25+$0x2870] =	vst v0  }
0x22: {  	[tilespmem:s25+$0x2800] =	vst v0  }
0x23: {  	[tilespmem:s25+$0x2810] =	vst v0  }
0x24: {  	[tilespmem:s25+$0x2820] =	vst v0  }
0x25: {  	[tilespmem:s25+$0x2830] =	vst v0  }
0x26: {  	[tilespmem:s25+$0x2840] =	vst v0  }
0x27: {  	[tilespmem:s25+$0x2850] =	vst v0  }
0x28: {  	[tilespmem:s25+$0x2860] =	vst v0  }
0x29: {  	[spmem:s7] =	stream.linear.scatter [tilespmem:s15], [sflag:$0x3], $0x4000, $0x38;
	[tilespmem:$0x1E800] =	vst v63  }
0x2a: {  	_ =	swait.ge [sflag:s16], $0x4000  }
0x2b: {  	[sflag:s16] =	ssyncset.done $0x0  }
0x2c: {  	[sflag:s16] =	ssyncadd.s32 $0xFFFFC000  }
0x2d: {  	[spmem:s11] =	stream.linear.scatter [tilespmem:s15], [sflag:$0x3], $0x4000, $0x38;
	[tilespmem:$0x1E800] =	vst v63  }
0x2e: {  	_ =	swait.ge [sflag:s16], $0x4000  }
0x2f: {  	[sflag:s16] =	ssyncset.done $0x0  }
0x30: {  	[sflag:s16] =	ssyncadd.s32 $0xFFFFC000  }
0x31: {  	[spmem:s12] =	stream.linear.scatter [tilespmem:s15], [sflag:$0x3], $0x4000, $0x38;
	[tilespmem:$0x1E800] =	vst v63  }
0x32: {  	_ =	swait.ge [sflag:s16], $0x4000  }
0x33: {  	[sflag:s16] =	ssyncset.done $0x0  }
0x34: {  	[sflag:s16] =	ssyncadd.s32 $0xFFFFC000  }
0x35: {  	[spmem:s13] =	stream.linear.scatter [tilespmem:s15], [sflag:$0x3], $0x4000, $0x38;
	[tilespmem:$0x1E800] =	vst v63  }
0x36: {  	_ =	swait.ge [sflag:s16], $0x4000  }
0x37: {  	[sflag:s16] =	ssyncset.done $0x0  }
0x38: {  	[sflag:s16] =	ssyncadd.s32 $0xFFFFC000  }
0x39: {  	[spmem:s14] =	stream.linear.scatter [tilespmem:s15], [sflag:$0x3], $0x4000, $0x38;
	[tilespmem:$0x1E800] =	vst v63  }
0x3a: {  	_ =	swait.ge [sflag:s16], $0x4000  }
0x3b: {  	[sflag:s16] =	ssyncset.done $0x0  }
0x3c: {  	[sflag:s16] =	ssyncadd.s32 $0xFFFFC000  }
0x3d: {  	s25 =	simm.s32 $0x0;
	s26 =	simm.s32 $0x0;
	[bflag:$0x0] =	sbarrier.arrive $0xFFFF  }
.LBB2_5:
0x3e: {  	s28 =	smul.u32 $0x28, s26;
	_ =	sdelay $0x1  }
0x3f: {  	s28 =	sadd.s32 s8, s28  }
0x40: {  	s28 =	sshll.u32 s28, $0x4  }
0x41: {  	s29 =	sadd.s32 s5, s28  }
0x42: {  	[tilespmem:s25], [sflag:$0x3] =	stream.linear.gather [hbm4b:s29+s25], $0x1400, $0x38;
	[tilespmem:$0x1E800] =	vst v63  }
0x43: {  	_ =	swait.ge [sflag:s16], $0x1400  }
0x44: {  	[sflag:s16] =	ssyncset.done $0x0  }
0x45: {  	s28 =	sadd.s32 s6, s28;
	[sflag:s16] =	ssyncadd.s32 $0xFFFFEC00  }
0x46: {  	[tilespmem:s17], [sflag:$0x3] =	stream.linear.gather [hbm4b:s28+s25], $0x1400, $0x38;
	[tilespmem:$0x1E800] =	vst v63  }
0x47: {  	_ =	swait.ge [sflag:s16], $0x1400  }
0x48: {  	[sflag:s16] =	ssyncset.done $0x0  }
0x49: {  	[sflag:s16] =	ssyncadd.s32 $0xFFFFEC00  }
0x4a: {  	[tilespmem:s15], [sflag:$0x1] =	stream.indirect.gather [hbm4b:s1+s18], $0x80, s25, s18, $0xb8;
	[tilespmem:$0x1E800] =	vst v63  }
0x4b: {  	_ = 	snop  }
0x4c: {  	[tilespmem:s19], [sflag:$0x2] =	stream.indirect.gather [hbm4b:s1+s18], $0x80, s18, s18, $0xb8;
	[tilespmem:$0x1E800] =	vst v63  }
0x4d: {  	_ =	swait.ge [sflag:s20], $0x4000  }
0x4e: {  	[sflag:s20] =	ssyncset.done $0x0  }
0x4f: {  	s28 =	simm.s32 $0x1400;
	[sflag:s20] =	ssyncadd.s32 $0xFFFFC000  }
0x50: {  	[spmem:s3] =	stream.indirect.scatter.add.f32 [tilespmem:s15], [sflag:$0x3], $0x80, s28, s18, $0xb8;
	[tilespmem:$0x1E800] =	vst v63  }
0x51: {  	_ =	swait.ge [sflag:s16], $0x4000  }
0x52: {  	[sflag:s16] =	ssyncset.done $0x0  }
0x53: {  	s28 =	simm.s32 $0x100;
	[sflag:s16] =	ssyncadd.s32 $0xFFFFC000  }
0x54: {  	[tilespmem:s15], [sflag:$0x1] =	stream.indirect.gather [hbm4b:s1+s18], $0x80, s28, s18, $0xb8;
	[tilespmem:$0x1E800] =	vst v63  }
0x55: {  	_ =	swait.ge [sflag:s21], $0x4000  }
0x56: {  	[sflag:s21] =	ssyncset.done $0x0  }
0x57: {  	s28 =	simm.s32 $0x1480;
	[sflag:s21] =	ssyncadd.s32 $0xFFFFC000  }
0x58: {  	[spmem:s3] =	stream.indirect.scatter.add.f32 [tilespmem:s19], [sflag:$0x3], $0x80, s28, s18, $0xb8;
	[tilespmem:$0x1E800] =	vst v63  }
0x59: {  	_ =	swait.ge [sflag:s16], $0x4000  }
0x5a: {  	[sflag:s16] =	ssyncset.done $0x0  }
0x5b: {  	s29 =	simm.s32 $0x180;
	s28 =	simm.s32 $0x400;
	[sflag:s16] =	ssyncadd.s32 $0xFFFFC000  }
.LBB2_6:
0x5c: {  	[tilespmem:s19], [sflag:$0x2] =	stream.indirect.gather [hbm4b:s1+s18], $0x80, s29, s18, $0xb8;
	[tilespmem:$0x1E800] =	vst v63  }
0x5d: {  	s29 =	smov.u32 s28  }
0x5e: {  	p1 =	sne.s32 s28, $0x4800;
	s28 =	sadd.s32 $0x400, s28;
	_ =	swait.ge [sflag:s20], $0x4000  }
0x5f: {  	s29 =	sshra.s32 s29, $0x2;
	[sflag:s20] =	ssyncset.done $0x0  }
0x60: {  	s30 =	sadd.s32 $0x1400, s29;
	[sflag:s20] =	ssyncadd.s32 $0xFFFFC000  }
0x61: {  	[spmem:s3] =	stream.indirect.scatter.add.f32 [tilespmem:s15], [sflag:$0x3], $0x80, s30, s18, $0xb8;
	[tilespmem:$0x1E800] =	vst v63  }
0x62: {  	_ =	swait.ge [sflag:s16], $0x4000  }
0x63: {  	[sflag:s16] =	ssyncset.done $0x0  }
0x64: {  	s30 =	sadd.s32 $0x100, s29;
	[sflag:s16] =	ssyncadd.s32 $0xFFFFC000  }
0x65: {  	[tilespmem:s15], [sflag:$0x1] =	stream.indirect.gather [hbm4b:s1+s18], $0x80, s30, s18, $0xb8;
	[tilespmem:$0x1E800] =	vst v63  }
0x66: {  	_ =	swait.ge [sflag:s21], $0x4000  }
0x67: {  	[sflag:s21] =	ssyncset.done $0x0  }
.Ltmp4:
0x68: {  	s30 =	sadd.s32 $0x1480, s29;
	[sflag:s21] =	ssyncadd.s32 $0xFFFFC000;
	(pc) =	sbr.rel @p1 .LBB2_6-.Ltmp4, $4  }
0x69: {  	[spmem:s3] =	stream.indirect.scatter.add.f32 [tilespmem:s19], [sflag:$0x3], $0x80, s30, s18, $0xb8;
	[tilespmem:$0x1E800] =	vst v63  }
0x6a: {  	_ =	swait.ge [sflag:s16], $0x4000  }
0x6b: {  	[sflag:s16] =	ssyncset.done $0x0  }
0x6c: {  	s29 =	sadd.s32 $0x180, s29;
	[sflag:s16] =	ssyncadd.s32 $0xFFFFC000  }
0x6d: {  	[tilespmem:s19], [sflag:$0x2] =	stream.indirect.gather [hbm4b:s1+s18], $0x80, s29, s18, $0xb8;
	[tilespmem:$0x1E800] =	vst v63  }
0x6e: {  	_ =	swait.ge [sflag:s20], $0x4000  }
0x6f: {  	[sflag:s20] =	ssyncset.done $0x0  }
0x70: {  	[sflag:s20] =	ssyncadd.s32 $0xFFFFC000  }
0x71: {  	[spmem:s3] =	stream.indirect.scatter.add.f32 [tilespmem:s15], [sflag:$0x3], $0x80, s22, s18, $0xb8;
	[tilespmem:$0x1E800] =	vst v63  }
0x72: {  	_ =	swait.ge [sflag:s16], $0x4000  }
0x73: {  	[sflag:s16] =	ssyncset.done $0x0  }
0x74: {  	[sflag:s16] =	ssyncadd.s32 $0xFFFFC000  }
0x75: {  	s26 =	sadd.s32 $0x1, s26;
	_ =	swait.ge [sflag:s21], $0x4000  }
0x76: {  	p1 =	seq.s32 s26, $0x4;
	[sflag:s21] =	ssyncset.done $0x0  }
.Ltmp5:
0x77: {  	[sflag:s21] =	ssyncadd.s32 $0xFFFFC000;
	(pc) =	sbr.rel @!p1 .LBB2_5-.Ltmp5, $4  }
0x78: {  	[spmem:s3] =	stream.indirect.scatter.add.f32 [tilespmem:s19], [sflag:$0x3], $0x80, s23, s18, $0xb8;
	[tilespmem:$0x1E800] =	vst v63  }
0x79: {  	_ =	swait.ge [sflag:s16], $0x4000  }
0x7a: {  	[sflag:s16] =	ssyncset.done $0x0  }
0x7b: {  	[sflag:s16] =	ssyncadd.s32 $0xFFFFC000  }
0x7c: {  	s25 =	sshll.u32 s2, $0x6;
	[bflag:$0x0] =	sbarrier.arrive $0xFFFF  }
.Ltmp6:
0x7d: {  	s26 =	sshrl.u32 s7, $0x3;
	s25 =	sor.u32 $0x1C03, s25;
	(pc) =	sbr.rel .LBB2_9-.Ltmp6, $4  }
0x7e: {  	[hbm:s9], [sflag:s25] =	dma.local [spmem:s26], $0x2800  }
0x7f: {  	_ =	swait.ge [sflag:s16], $0x2800  }
0x80: {  	[sflag:s16] =	ssyncset.done $0x0  }
0x81: {  	[sflag:s16] =	ssyncadd.s32 $0xFFFFD800  }
.LBB2_10:
0x82: {  	_ =	sfence.sel $0x180000  }
0x83: {  	[bflag:$0x0] =	sbarrier.arrive $0xFFFF  }
0x84: {  	p0 =	sne.s32 s2, $0x0;
	_ =	strace $0x9000004D  }
0x85: {  	s0 =	sadd.s32 @!p0 $0x100000, s0;
	[bflag:$0x2] =	sbarrier.arrive $0xFFFF  }
0x86: {  	[sflag:s0] =	ssyncadd.tile.s32 @!p0 $0x1;
	_ =	shalt  }
.Lfunc_end2:
_tile_overlayer_lowered:
.L_overlay_start_2:
0x87: {  	(tag) =	ssettag $0x2  }
0x88: {  	s0 =	rddreg [dreg:$0x0];
	s2 =	stileid.u32  }
0x89: {  	s1 =	rddreg [dreg:$0x1];
	p0 =	sne.s32 s2, $0x0  }
0x8a: {  	s3 =	rddreg [dreg:$0x2];
	[bflag:$0x3] =	sbarrier.arrive $0xFFFF;
	s2 =	simm.s32 @!p0 $0x1C03  }
0x8b: {  	[timem:s3], [sflag:s2] =	dma.local @!p0 [hbm:s0], s1  }
0x8c: {  	s0 =	simm.s32 @!p0 $0x3  }
0x8d: {  	_ =	swait.ge @!p0 [sflag:s0], s1  }
0x8e: {  	s1 =	ssub.s32 @!p0 $0x0, s1;
	[sflag:s0] =	ssyncset.done @!p0 $0x0  }
0x8f: {  	[sflag:s0] =	ssyncadd.s32 @!p0 s1  }
0x90: {  	[bflag:$0x3] =	sbarrier.arrive $0xFFFF  }
0x91: {  	_ =	shalt  }

// kernel: kernel.8.cloned.1.call-start
scs
__scs_entry_jumppad:
0x0: {  	(pc) =	sbr.rel $0x88, $3  }
0x1: {  	(tag) =	ssettag $0x0;
	lr =	simm.s32 $0x1  }
0x2: {  	[smem:$0x3F9B] =	sst lr;
	_ =	strace $0xD0000000  }
0x3: {  	_ = 	snop  }
0x4: {  	_ = 	snop  }
0x5: {  	_ = 	snop  }
0x6: {  	_ = 	snop  }
0x7: {  	_ = 	snop  }
__scs_overlays_trampoline_lowered:
0x8: {  	[smem:$0x3FAA] =	sst s0  }
0x9: {  	[smem:$0x3FAB] =	sst s1  }
0xa: {  	[smem:$0x3FAC] =	sst s2  }
0xb: {  	[smem:$0x3FAD] =	sst s3  }
0xc: {  	[smem:$0x3FAE] =	sst s4  }
0xd: {  	[smem:$0x3FAF] =	sst s5  }
0xe: {  	[smem:$0x3FB0] =	sst s6  }
0xf: {  	[smem:$0x3FB1] =	sst s7  }
0x10: {  	[smem:$0x3FB2] =	sst s8  }
0x11: {  	[smem:$0x3FB3] =	sst s9;
	s0 =	simm.s32 @!p0 $0x0  }
0x12: {  	s1 =	sld [smem:$0x3F99];
	s0 =	simm.s32 @p0 $0x1  }
0x13: {  	[smem:$0x3FB4] =	sst s0;
	s0 =	simm.s32 @!p1 $0x0  }
0x14: {  	s2 =	sld [smem:$0x3F98];
	s0 =	simm.s32 @p1 $0x1  }
0x15: {  	[smem:$0x3FB5] =	sst s0;
	s0 =	simm.s32 @!p2 $0x0  }
0x16: {  	s3 =	sld [smem:$0x3FDB];
	s0 =	simm.s32 @p2 $0x1  }
0x17: {  	s4 =	simm.s32 $0x1BF5;
	[smem:$0x3FB7] =	sst s0  }
0x18: {  	s0 =	sld [smem:$0x3F9A];
	_ =	swait.ge [sflag:s4], $0x0  }
0x19: {  	s7 =	sld [smem:$0x3F9B]  }
0x1a: {  	s8 =	sadd.s32 $0xFFFFE003, lr  }
0x1b: {  	s9 =	sadd.s32 $0xFFFFFEF7, lr;
	s5 =	simm.s32 $0xFFFFFFFF;
	p2 =	slt.u32 s8, $0xFFFFF086  }
0x1c: {  	p1 =	slt.u32 s9, $0xF7A;
	s5 =	simm.s32 @!p2 $0x0  }
0x1d: {  	s5 =	simm.s32 @p1 $0x1;
	p0 =	seq.s32 s7, s2  }
0x1e: {  	s7 =	smul.u32 @!p0 $0xF7A, s2;
	p2 =	seq.s32 @!p0 s5, $0x0  }
0x1f: {  	s9 =	smul.u32 $0xF7A, s1;
	s8 =	simm.s32 @!p0 $0x1BF5;
	p2 =	por !p2, p0  }
0x20: {  	[sflag:s8] =	ssyncset.s32 @!p0 $0xFFFFF086;
	s6 =	sadd.s32 @!p0 s3, s7;
	s7 =	simm.s32 @!p0 $0x108  }
0x21: {  	s3 =	sadd.s32 s3, s9;
	s6 =	sadd.s32 @!p0 $0x88, s6;
	s7 =	simm.s32 @p2 $0x1082  }
0x22: {  	[simem:s7], [sflag:s8] =	dma.local @!p0 [hbm:s6], $0xF7A  }
0x23: {  	s9 =	sor.u32 $0xD0000000, s2;
	s6 =	simm.s32 $0x108;
	_ =	swait.ge @!p0 [sflag:s8], $0x0  }
0x24: {  	s3 =	sadd.s32 $0x88, s3;
	s6 =	simm.s32 @!p1 $0x1082;
	[sflag:s4] =	ssyncset.s32 $0xFFFFF086  }
0x25: {  	[simem:s6], [sflag:s4] =	dma.local [hbm:s3], $0xF7A  }
0x26: {  	[smem:$0x3F9B] =	sst s1;
	(tag) =	ssettag s2;
	_ =	strace s9  }
0x27: {  	s1 =	sld [smem:$0x3FAB]  }
0x28: {  	s2 =	sld [smem:$0x3FAC]  }
0x29: {  	s4 =	sld [smem:$0x3FAE]  }
0x2a: {  	p0 =	seq.s32 s5, $0x0;
	s5 =	sld [smem:$0x3FAF]  }
0x2b: {  	s6 =	sld [smem:$0x3FB0]  }
0x2c: {  	s7 =	sld [smem:$0x3FB1]  }
0x2d: {  	s3 =	simm.s32 $0x108;
	s8 =	sld [smem:$0x3FB2]  }
0x2e: {  	s3 =	simm.s32 @!p0 $0x1082;
	s9 =	sld [smem:$0x3FB3]  }
0x2f: {  	lr =	sadd.s32 s0, s3;
	s0 =	sld [smem:$0x3FAA]  }
0x30: {  	s3 =	sld [smem:$0x3FAD]  }
0x31: {  	[smem:$0x3FB6] =	sst s10  }
0x32: {  	s10 =	sld [smem:$0x3FB4];
	_ =	sdelay $0x3  }
0x33: {  	p0 =	seq.s32 s10, $0x1;
	s10 =	sld [smem:$0x3FB6];
	_ =	sdelay $0x3  }
0x34: {  	[smem:$0x3FB6] =	sst s10  }
0x35: {  	s10 =	sld [smem:$0x3FB5];
	_ =	sdelay $0x3  }
0x36: {  	p1 =	seq.s32 s10, $0x1;
	s10 =	sld [smem:$0x3FB6];
	_ =	sdelay $0x3  }
0x37: {  	[smem:$0x3FB6] =	sst s10  }
0x38: {  	s10 =	sld [smem:$0x3FB7]  }
0x39: {  	_ = 	snop;
	(pc) =	sbr.ind lr, $3  }
0x3a: {  	_ = 	snop  }
0x3b: {  	_ = 	snop  }
0x3c: {  	p2 =	seq.s32 s10, $0x1;
	s10 =	sld [smem:$0x3FB6]  }
0x3d: {  	_ =	shalt  }
0x3e: {  	_ =	shalt  }
0x3f: {  	_ =	shalt  }
0x40: {  	_ =	shalt  }
0x41: {  	_ =	shalt  }
0x42: {  	_ =	shalt  }
0x43: {  	_ =	shalt  }
0x44: {  	_ =	shalt  }
0x45: {  	_ =	shalt  }
0x46: {  	_ =	shalt  }
0x47: {  	_ =	shalt  }
0x48: {  	_ =	shalt  }
0x49: {  	_ =	shalt  }
0x4a: {  	_ =	shalt  }
0x4b: {  	_ =	shalt  }
0x4c: {  	_ =	shalt  }
0x4d: {  	_ =	shalt  }
0x4e: {  	_ =	shalt  }
0x4f: {  	_ =	shalt  }
0x50: {  	_ =	shalt  }
0x51: {  	_ =	shalt  }
0x52: {  	_ =	shalt  }
0x53: {  	_ =	shalt  }
0x54: {  	_ =	shalt  }
0x55: {  	_ =	shalt  }
0x56: {  	_ =	shalt  }
0x57: {  	_ =	shalt  }
0x58: {  	_ =	shalt  }
0x59: {  	_ =	shalt  }
0x5a: {  	_ =	shalt  }
0x5b: {  	_ =	shalt  }
0x5c: {  	_ =	shalt  }
0x5d: {  	_ =	shalt  }
0x5e: {  	_ =	shalt  }
0x5f: {  	_ =	shalt  }
0x60: {  	_ =	shalt  }
0x61: {  	_ =	shalt  }
0x62: {  	_ =	shalt  }
0x63: {  	_ =	shalt  }
0x64: {  	_ =	shalt  }
0x65: {  	_ =	shalt  }
0x66: {  	_ =	shalt  }
0x67: {  	_ =	shalt  }
0x68: {  	_ =	shalt  }
0x69: {  	_ =	shalt  }
0x6a: {  	_ =	shalt  }
0x6b: {  	_ =	shalt  }
0x6c: {  	_ =	shalt  }
0x6d: {  	_ =	shalt  }
0x6e: {  	_ =	shalt  }
0x6f: {  	_ =	shalt  }
0x70: {  	_ =	shalt  }
0x71: {  	_ =	shalt  }
0x72: {  	_ =	shalt  }
0x73: {  	_ =	shalt  }
0x74: {  	_ =	shalt  }
0x75: {  	_ =	shalt  }
0x76: {  	_ =	shalt  }
0x77: {  	_ =	shalt  }
0x78: {  	_ =	shalt  }
0x79: {  	_ =	shalt  }
0x7a: {  	_ =	shalt  }
0x7b: {  	_ =	shalt  }
0x7c: {  	_ =	shalt  }
0x7d: {  	_ =	shalt  }
0x7e: {  	_ =	shalt  }
0x7f: {  	_ =	shalt  }
0x80: {  	_ =	shalt  }
0x81: {  	_ =	shalt  }
0x82: {  	_ =	shalt  }
0x83: {  	_ =	shalt  }
0x84: {  	_ =	shalt  }
0x85: {  	_ =	shalt  }
0x86: {  	_ =	shalt  }
0x87: {  	_ =	shalt  }
.Lfunc_end0:
.L_simem_size_0:
called_computation_lowered:
.L_overlay_start_0:
0x88: {  	s2 =	sld [smem:$0x3FD9]  }
0x89: {  	s3 =	sld [smem:$0x3FFE];
	_ =	sdelay $0x1  }
0x8a: {  	s1 =	srdreg.scid  }
0x8b: {  	s0 =	sand.u32 $0x1, s1  }
0x8c: {  	s17 =	sshll.u32 s0, $0xA;
	s2 =	sadd.s32 s3, s2  }
0x8d: {  	s2 =	sadd.s32 s2, s17  }
0x8e: {  	[smem:$0x3FC2] =	sst s2  }
0x8f: {  	_ = 	snop  }
0x90: {  	s2 =	sld [smem:$0x3FD0];
	(tm) =	ssettm $0x1  }
0x91: {  	s18 =	sld [smem:$0x3FFB];
	_ =	sdelay $0x3  }
0x92: {  	_ =	strace s18  }
0x93: {  	s3 =	sld [smem:$0x3FFC];
	_ =	sdelay $0x3  }
0x94: {  	_ =	strace s3  }
0x95: {  	s3 =	sld [smem:$0x3FFD];
	_ =	sdelay $0x3  }
0x96: {  	_ =	strace s3  }
0x97: {  	_ =	strace $0x8FFFFFFF  }
0x98: {  	s19 =	sld [smem:$0x3FDB];
	_ =	sdelay $0x1  }
0x99: {  	s4 =	simm.s32 $_scs_section_size  }
0x9a: {  	s5 =	simm.s32 $_size__tile_overlayer_lowered;
	s6 =	simm.s32 $_tile_overlayer_lowered  }
0x9b: {  	s22 =	simm.s32 $0x1BFF;
	s21 =	sshll.u32 s6, $0x1;
	s3 =	sadd.s32 s4, s19  }
0x9c: {  	s7 =	simm.s32 $0x0;
	s20 =	sshll.u32 s5, $0x1;
	s5 =	sadd.s32 s21, s3  }
0x9d: {  	[timem:s7], [sflag:s22] =	dma.local [hbm:s5], s20  }
0x9e: {  	_ =	swait.ge [sflag:s22], s20  }
0x9f: {  	s4 =	ssub.s32 $0x0, s20;
	[sflag:s22] =	ssyncset.done $0x0  }
0xa0: {  	[sflag:s22] =	ssyncadd.s32 s4;
	_ =	sdelay $0x1  }
0xa1: {  	s23 =	simm.s32 $0x1B8B  }
0xa2: {  	_ =	swait.ge [sflag:s23], $0x1  }
0xa3: {  	[sflag:s23] =	ssyncset.done $0x0  }
0xa4: {  	s25 =	simm.s32 $0x1B8E;
	s24 =	sld [smem:$0x3FFE];
	[sflag:s23] =	ssyncadd.s32 $0xFFFFFFFF  }
0xa5: {  	s26 =	simm.s32 $execute0_lowered;
	[smem:$0x3FD2] =	sst s25  }
0xa6: {  	s5 =	sshll.u32 s26, $0x1;
	_ =	strace $0x80000046;
	[dreg:$0x1] =	wrdreg $0xFFFFFFFF  }
0xa7: {  	s28 =	simm.s32 $_size_execute0_lowered;
	s3 =	sadd.s32 s3, s5;
	[dreg:$0x0] =	wrdreg $0x0  }
0xa8: {  	s5 =	sshll.u32 s28, $0x1;
	[dreg:$0x2] =	wrdreg s3  }
0xa9: {  	[dreg:$0x3] =	wrdreg s5  }
0xaa: {  	[dreg:$0x4] =	wrdreg $0xC0  }
0xab: {  	_ =	task [dreg:s7], $0x5FFFF  }
0xac: {  	[dreg:$0x1] =	wrdreg $0xFFFFFFFF  }
0xad: {  	[dreg:$0x0] =	wrdreg $0x60  }
0xae: {  	[dreg:$0x2] =	wrdreg s2  }
0xaf: {  	[dreg:$0x3] =	wrdreg s24  }
0xb0: {  	[dreg:$0x4] =	wrdreg $0x2B000  }
0xb1: {  	[dreg:$0x5] =	wrdreg $0x9  }
0xb2: {  	_ =	task.clear_ibuf [dreg:s7], $0x6FFFF;
	_ =	strace $0x90000046  }
0xb3: {  	s29 =	simm.s32 $0x9;
	_ =	strace $0x80000048  }
0xb4: {  	_ =	swait.ge [sflag:s29], $0x1  }
0xb5: {  	[sflag:s29] =	ssyncadd.s32 $0xFFFFFFFF  }
0xb6: {  	_ =	strace $0x90000048  }
0xb7: {  	_ =	sfence  }
0xb8: {  	s30 =	sld [smem:$0x0];
	_ =	sdelay $0x2  }
0xb9: {  	s31 =	sshll.u32 s1, $0xD;
	s1 =	sshrl.u32 s1, $0x2  }
0xba: {  	s3 =	sand.u32 $0x4000, s31;
	s1 =	sadd.s32 s1, s30  }
0xbb: {  	s0 =	sor.u32 s3, s0;
	s1 =	sshll.u32 s1, $0x11  }
0xbc: {  	s0 =	sor.u32 s1, s0  }
0xbd: {  	s0 =	sadd.s32 $0x8F2B, s0  }
0xbe: {  	[sflag:s0] =	ssyncadd.remote.s32 $0x1  }
0xbf: {  	_ =	sfence.sel $0xFFFF  }
0xc0: {  	[dreg:$0x0] =	wrdreg $0xFFFFFFFF;
	(pc) =	sbr.abs _section_cstart, $3  }
0xc1: {  	[dreg:$0x1] =	wrdreg $0xFFFFFFFF  }
0xc2: {  	_ =	task.clear_ibuf [dreg:s7], $0x2FFFF;
	_ =	strace $0x9FFFFFFF  }
0xc3: {  	(tm) =	ssettm $0x7FFFFFFF  }
tec
execute0_lowered:
.L_overlay_start_1:
0x0: {  	(tag) =	ssettag $0x1  }
0x1: {  	s5 =	rddreg [dreg:$0x0]  }
0x2: {  	s4 =	rddreg [dreg:$0x1]  }
0x3: {  	s2 =	rddreg [dreg:$0x2]  }
0x4: {  	s0 =	rddreg [dreg:$0x3]  }
0x5: {  	s3 =	simm.s32 $0x0;
	s6 =	srdreg.scid;
	s1 =	stileid.u32  }
0x6: {  	s11 =	simm.s32 $0x2800;
	s14 =	simm.s32 $0x20;
	s15 =	simm.s32 $0x10  }
0x7: {  	s16 =	simm.s32 $0x0;
	[smem:$0x7FF] =	sst s3;
	s7 =	smul.u32 $0x500, s1  }
0x8: {  	s6 =	sand.u32 $0x1, s6;
	s30 =	smul.u32 $0xA00, s1;
	s12 =	sshll.u32 s1, $0x6  }
0x9: {  	_ =	strace $0x80000047;
	s8 =	sshll.u32 s6, $0x7;
	s9 =	sshll.u32 s6, $0x4  }
0xa: {  	s6 =	ssub.s32 $0x2, s6;
	s12 =	sor.u32 $0x1C01, s12;
	s7 =	sor.u32 s8, s7  }
0xb: {  	s29 =	sor.u32 s1, s9;
	s31 =	sshrl.u32 s6, $0x1;
	s9 =	sshrl.u32 s30, $0x2  }
0xc: {  	s7 =	sshrl.u32 s7, $0x3;
	s8 =	smul.u32 $0x500, s29;
	s10 =	ssub.s32 s6, s31  }
0xd: {  	s7 =	sadd.s32 s7, s4;
	s4 =	sadd.s32 s9, s2;
	s9 =	simm.s32 $0x1  }
0xe: {  	s5 =	sadd.s32 s5, s8;
	s6 =	sadd.s32 $0x1E00, s7;
	s7 =	smax.u32 s10, $0x1  }
0xf: {  	v0 =	vimm.f32 $1.000000000e+00;
	v1 =	vimm.f32 $0.0e+00;
	s8 =	simm.s32 $0x2880;
	s10 =	simm.s32 $0x80;
	s13 =	sshrl.u32 s4, $0x3  }
.LBB2_1:
0x10: {  	[tilespmem:$0x2800] =	vst v0  }
0x11: {  	[tilespmem:$0x2810] =	vst v0  }
0x12: {  	[tilespmem:$0x2820] =	vst v0  }
0x13: {  	[tilespmem:$0x2830] =	vst v0  }
0x14: {  	[tilespmem:$0x2840] =	vst v0  }
0x15: {  	[tilespmem:$0x2850] =	vst v0  }
0x16: {  	[tilespmem:$0x2860] =	vst v0  }
0x17: {  	[tilespmem:$0x2870] =	vst v0  }
0x18: {  	[tilespmem:$0x2880] =	vst v1  }
0x19: {  	[tilespmem:$0x2890] =	vst v1  }
0x1a: {  	[tilespmem:$0x28A0] =	vst v1  }
0x1b: {  	[tilespmem:$0x28B0] =	vst v1  }
0x1c: {  	[tilespmem:$0x28C0] =	vst v1  }
0x1d: {  	[tilespmem:$0x28D0] =	vst v1  }
0x1e: {  	[tilespmem:$0x28E0] =	vst v1  }
0x1f: {  	[tilespmem:$0x28F0] =	vst v1  }
0x20: {  	[tilespmem:$0x2900] =	vst v1  }
0x21: {  	[tilespmem:$0x2910] =	vst v1  }
0x22: {  	[tilespmem:$0x2920] =	vst v1  }
0x23: {  	[tilespmem:$0x2930] =	vst v1  }
0x24: {  	[tilespmem:$0x2940] =	vst v1  }
0x25: {  	[tilespmem:$0x2950] =	vst v1  }
0x26: {  	[tilespmem:$0x2960] =	vst v1  }
0x27: {  	[tilespmem:$0x2970] =	vst v1  }
0x28: {  	[tilespmem:$0x2980] =	vst v1  }
0x29: {  	[tilespmem:$0x2990] =	vst v1  }
0x2a: {  	[tilespmem:$0x29A0] =	vst v1  }
0x2b: {  	[tilespmem:$0x29B0] =	vst v1  }
0x2c: {  	[tilespmem:$0x29C0] =	vst v1  }
0x2d: {  	[tilespmem:$0x29D0] =	vst v1  }
0x2e: {  	[tilespmem:$0x29E0] =	vst v1  }
0x2f: {  	[tilespmem:$0x29F0] =	vst v1  }
0x30: {  	[tilespmem:$0x2A00] =	vst v1  }
0x31: {  	[tilespmem:$0x2A10] =	vst v1  }
0x32: {  	[tilespmem:$0x2A20] =	vst v1  }
0x33: {  	[tilespmem:$0x2A30] =	vst v1  }
0x34: {  	[tilespmem:$0x2A40] =	vst v1  }
0x35: {  	[tilespmem:$0x2A50] =	vst v1  }
0x36: {  	[tilespmem:$0x2A60] =	vst v1  }
0x37: {  	[tilespmem:$0x2A70] =	vst v1  }
0x38: {  	[tilespmem:$0x2A80] =	vst v1  }
0x39: {  	[tilespmem:$0x2A90] =	vst v1  }
0x3a: {  	[tilespmem:$0x2AA0] =	vst v1  }
0x3b: {  	[tilespmem:$0x2AB0] =	vst v1  }
0x3c: {  	[tilespmem:$0x2AC0] =	vst v1  }
0x3d: {  	[tilespmem:$0x2AD0] =	vst v1  }
0x3e: {  	[tilespmem:$0x2AE0] =	vst v1  }
0x3f: {  	[tilespmem:$0x2AF0] =	vst v1  }
0x40: {  	[spmem:s4] =	stream.linear.scatter [tilespmem:s8], [sflag:$0x1], $0x280, $0x38;
	[tilespmem:$0x2D80] =	vst v63  }
0x41: {  	_ =	swait.ge [sflag:s9], $0x280  }
0x42: {  	[sflag:s9] =	ssyncset.done $0x0  }
0x43: {  	[sflag:s9] =	ssyncadd.s32 $0xFFFFFD80  }
0x44: {  	[bflag:$0x0] =	sbarrier.arrive $0xFFFF  }
0x45: {  	[tilespmem:s3], [sflag:$0x1] =	stream.linear.gather [hbm4b:s5+s3], $0x2800, $0x38;
	[tilespmem:$0x2D80] =	vst v63  }
0x46: {  	_ =	swait.ge [sflag:s9], $0x2800  }
0x47: {  	[sflag:s9] =	ssyncset.done $0x0  }
0x48: {  	s17 =	simm.s32 $0x0;
	[sflag:s9] =	ssyncadd.s32 $0xFFFFD800  }
0x49: {  	[spmem:s2] =	stream.indirect.scatter.add.f32 [tilespmem:s11], [sflag:$0x1], $0x1, s17, s10, $0xb8;
	[tilespmem:$0x2D80] =	vst v63  }
0x4a: {  	_ =	swait.ge [sflag:s9], $0x80  }
0x4b: {  	s17 =	simm.s32 $0x200;
	[sflag:s9] =	ssyncset.done $0x0  }
.LBB2_2:
0x4c: {  	s18 =	sshra.s32 s17, $0x2;
	[sflag:s9] =	ssyncadd.s32 $0xFFFFFF80;
	p0 =	sne.s32 s17, $0x9E00  }
0x4d: {  	[spmem:s2] =	stream.indirect.scatter.add.f32 [tilespmem:s11], [sflag:$0x1], $0x1, s18, s10, $0xb8;
	[tilespmem:$0x2D80] =	vst v63  }
.Ltmp0:
0x4e: {  	_ = 	snop;
	(pc) =	sbr.rel @p0 .LBB2_2-.Ltmp0, $4  }
0x4f: {  	_ = 	snop  }
0x50: {  	s17 =	sadd.s32 $0x200, s17  }
0x51: {  	_ =	swait.ge [sflag:s9], $0x80  }
0x52: {  	[sflag:s9] =	ssyncset.done $0x0  }
0x53: {  	s16 =	sadd.s32 $0x1, s16  }
0x54: {  	[sflag:s9] =	ssyncadd.s32 $0xFFFFFF80;
	p0 =	sne.s32 s16, s7  }
.Ltmp1:
0x55: {  	[bflag:$0x0] =	sbarrier.arrive $0xFFFF;
	(pc) =	sbr.rel @p0 .LBB2_1-.Ltmp1, $4  }
0x56: {  	[hbm:s6@s14], [sflag:s12] =	dma.strided [spmem:s13@s15], $0x50, s9, $0x10   }
0x57: {  	_ =	swait.ge [sflag:s9], $0x50  }
0x58: {  	[sflag:s9] =	ssyncset.done $0x0  }
0x59: {  	[sflag:s9] =	ssyncadd.s32 $0xFFFFFFB0  }
0x5a: {  	_ =	sfence.sel $0x180000  }
0x5b: {  	[bflag:$0x0] =	sbarrier.arrive $0xFFFF  }
0x5c: {  	p0 =	sne.s32 s1, $0x0;
	_ =	strace $0x90000047  }
0x5d: {  	s0 =	sadd.s32 @!p0 $0x100000, s0;
	[bflag:$0x2] =	sbarrier.arrive $0xFFFF  }
0x5e: {  	[sflag:s0] =	ssyncadd.tile.s32 @!p0 $0x1;
	_ =	shalt  }
.Lfunc_end2:
_tile_overlayer_lowered:
.L_overlay_start_2:
0x5f: {  	(tag) =	ssettag $0x2  }
0x60: {  	s0 =	rddreg [dreg:$0x0];
	s2 =	stileid.u32  }
0x61: {  	s1 =	rddreg [dreg:$0x1];
	p0 =	sne.s32 s2, $0x0  }
0x62: {  	s3 =	rddreg [dreg:$0x2];
	[bflag:$0x3] =	sbarrier.arrive $0xFFFF;
	s2 =	simm.s32 @!p0 $0x1C01  }
0x63: {  	[timem:s3], [sflag:s2] =	dma.local @!p0 [hbm:s0], s1  }
0x64: {  	s0 =	simm.s32 @!p0 $0x1  }
0x65: {  	_ =	swait.ge @!p0 [sflag:s0], s1  }
0x66: {  	s1 =	ssub.s32 @!p0 $0x0, s1;
	[sflag:s0] =	ssyncset.done @!p0 $0x0  }
0x67: {  	[sflag:s0] =	ssyncadd.s32 @!p0 s1  }
0x68: {  	[bflag:$0x3] =	sbarrier.arrive $0xFFFF  }
0x69: {  	_ =	shalt  }

</sc_bundles>
